<compile_context>
chip_gen: v7x
topology: tpu7x:2x2x1
jax: 0.10.2.dev20260603
libtpu: 0.0.44.dev20260713+nightly
codegen_flags: <defaults>
</compile_context>

<pallas_src>
import jax
import jax.numpy as jnp
from jax.experimental import pallas as pl
from jax.experimental.pallas import tpu as pltpu

_B = 20000
_CS = 2000


def _insert_body(state_ref, maskv_ref, maskw_hbm, ns2_ref, ns_ref,
                 out_ref, outm_ref, carry_ref, mchunk_ref, dsem):
    i = pl.program_id(0)
    nb = ns_ref.shape[0]
    b = _B

    @pl.when(i == 0)
    def _():
        carry_ref[0] = 0

    c0 = carry_ref[0]
    m2 = maskv_ref[0]
    e2 = (~m2).astype(jnp.int32)
    zeros = jnp.sum(e2)

    aligned = c0 % 4 == 0
    cond_copy = jnp.logical_or(c0 >= nb, zeros == 0)
    cond_fast = jnp.logical_and(
        jnp.logical_and(zeros == b, c0 + b <= nb), aligned)
    cond_gen = jnp.logical_not(jnp.logical_or(cond_copy, cond_fast))

    @pl.when(cond_copy)
    def _():
        out_ref[...] = state_ref[...]
        outm_ref[...] = maskv_ref[...]

    @pl.when(cond_fast)
    def _():
        out_ref[...] = ns2_ref[pl.ds(c0 // 4, b // 4), :]
        outm_ref[...] = jnp.ones_like(outm_ref)

    @pl.when(cond_gen)
    def _():
        out_ref[...] = state_ref[...]
        lane = jax.lax.broadcasted_iota(jnp.int32, (1, b), 1)
        x = e2
        off = 1
        while off < b:
            x = x + jnp.where(lane >= off, jnp.roll(x, off, axis=1), 0)
            off *= 2
        excl = x - e2
        cnt = c0 + excl
        ins = jnp.logical_and(e2 > 0, cnt < nb)
        outm_ref[...] = jnp.logical_or(m2, ins).reshape(outm_ref.shape)

        fo = jnp.min(jnp.where(m2, lane, b))
        run = jnp.minimum(fo, nb - c0)
        run_vec = jnp.where(aligned, (run >> 2) << 2, 0)
        for k in range(14, 1, -1):
            sz = 1 << k
            if sz > b or sz > nb:
                continue
            done = (run_vec >> (k + 1)) << (k + 1)

            @pl.when(((run_vec >> k) & 1) == 1)
            def _():
                out_ref[pl.ds(done >> 2, sz >> 2), :] = (
                    ns2_ref[pl.ds((c0 + done) >> 2, sz >> 2), :])

        carry_ref[1] = c0 + run_vec
        first_chunk = run_vec // _CS

        def chunk_body(ci, _):
            @pl.when(jnp.logical_and(ci >= first_chunk, carry_ref[1] < nb))
            def _():
                fetch = mchunk_ref.shape[0]
                start = i * b + ci * _CS
                clamp = ((maskw_hbm.shape[0] - fetch) // 128) * 128
                astart = pl.multiple_of(
                    jnp.minimum((start // 128) * 128, clamp), 128)
                delta = start - astart
                cp = pltpu.make_async_copy(
                    maskw_hbm.at[pl.ds(astart, fetch)],
                    mchunk_ref,
                    dsem)
                cp.start()
                cp.wait()

                def row_body(r, _):
                    ra = ci * _CS + r
                    em = jnp.logical_and(mchunk_ref[delta + r] == 0,
                                         ra >= run_vec)
                    c = carry_ref[1]

                    @pl.when(jnp.logical_and(em, c < nb))
                    def _():
                        row = ns_ref[pl.ds(c, 1), :]
                        rq = ra // 4
                        for kk in range(4):
                            @pl.when(ra % 4 == kk)
                            def _():
                                out_ref[pl.ds(rq, 1),
                                        kk * 32:(kk + 1) * 32] = row

                    @pl.when(em)
                    def _():
                        carry_ref[1] = c + 1

                    return 0

                jax.lax.fori_loop(0, _CS, row_body, 0)
            return 0

        jax.lax.fori_loop(0, b // _CS, chunk_body, 0)

    carry_ref[0] = c0 + zeros


def kernel(state, mask, new_states):
    m, d = state.shape
    nb = new_states.shape[0]
    g = m // _B
    state2 = state.reshape(m // 4, 4 * d)
    ns2 = new_states.reshape(nb // 4, 4 * d)
    mask3 = mask.reshape(g, 1, _B)
    mask_i32 = jnp.pad(mask.astype(jnp.int32), (0, (-m) % 128),
                       constant_values=1)

    out_state2, out_mask3 = pl.pallas_call(
        _insert_body,
        grid=(g,),
        in_specs=[
            pl.BlockSpec((_B // 4, 4 * d), lambda i: (i, 0)),
            pl.BlockSpec((1, 1, _B), lambda i: (i, 0, 0)),
            pl.BlockSpec(memory_space=pl.ANY),
            pl.BlockSpec((nb // 4, 4 * d), lambda i: (0, 0)),
            pl.BlockSpec((nb, d), lambda i: (0, 0)),
        ],
        out_specs=[
            pl.BlockSpec((_B // 4, 4 * d), lambda i: (i, 0)),
            pl.BlockSpec((1, 1, _B), lambda i: (i, 0, 0)),
        ],
        out_shape=[
            jax.ShapeDtypeStruct((m // 4, 4 * d), state.dtype),
            jax.ShapeDtypeStruct((g, 1, _B), jnp.bool_),
        ],
        scratch_shapes=[
            pltpu.SMEM((4,), jnp.int32),
            pltpu.SMEM((-(-(_CS + 128) // 128) * 128,), jnp.int32),
            pltpu.SemaphoreType.DMA,
        ],
    )(state2, mask3, mask_i32, ns2, new_states)
    return out_state2.reshape(m, d), out_mask3.reshape(m)

# --- scband reference (transcript-rebuilt; emitter-appended) ---
"""Pipeline reference for scband-rfs-41626823033068 (READ-ONLY COPY).

The authoritative reference and input builder live on the scoring server;
editing this copy changes nothing except your own understanding.
"""

import jax, jax.numpy as jnp
import numpy as np

MAX_COMPONENTS = 1000000
STATE_DIM = 32
N_BIRTH = 16384

def setup_inputs(seed: int = 0) -> dict:
    key = jax.random.key(seed)
    k1, k2 = jax.random.split(key)
    state = jax.random.normal(k1, (MAX_COMPONENTS, STATE_DIM), dtype=jnp.float32)
    mask = jnp.zeros((MAX_COMPONENTS,), dtype=bool)
    new_states = jax.random.normal(k2, (N_BIRTH, STATE_DIM), dtype=jnp.float32)
    return {"state": state, "mask": mask, "new_states": new_states}

def reference(state, mask, new_states):
    # Faithful translation of RFS.insert: find empty slots, scatter-write new states,
    # flip mask bits for the newly occupied slots.
    n_birth = new_states.shape[0]
    empty_slots = jnp.where(~mask, size=n_birth, fill_value=-1)[0]
    valid_births = empty_slots >= 0
    new_state = state.at[empty_slots].set(jnp.where(valid_births[:, None], new_states, 0.0))
    new_mask = mask.at[empty_slots].set(valid_births)
    return new_state, new_mask

if __name__ == "__main__":
    import jax
    _d = setup_inputs()
    print(jax.jit(kernel)(*tuple(_d.values())))

</pallas_src>

<mosaic_0001>
module attributes {stable_mosaic.version = 14 : i64} {
  func.func @_insert_body(%arg0: i32, %arg1: memref<5000x128xf32, #tpu.memory_space<vmem>>, %arg2: memref<1x1x20000xi32, #tpu.memory_space<vmem>>, %arg3: memref<1000064xi32, #tpu.memory_space<any>>, %arg4: memref<4096x128xf32, #tpu.memory_space<vmem>>, %arg5: memref<16384x32xf32, #tpu.memory_space<vmem>>, %arg6: memref<5000x128xf32, #tpu.memory_space<vmem>>, %arg7: memref<1x1x20000xi32, #tpu.memory_space<vmem>>, %arg8: memref<4xi32, #tpu.memory_space<smem>>, %arg9: memref<2176xi32, #tpu.memory_space<smem>>, %arg10: memref<!tpu.dma_semaphore, #tpu.memory_space<semaphore_mem>>) attributes {dimension_semantics = [#tpu.dimension_semantics<arbitrary>], iteration_bounds = array<i64: 50>, scalar_prefetch = 0 : i64, scratch_operands = 3 : i64, tpu.core_type = #tpu.core_type<tc>, window_params = [{transform_indices = @transform_0, window_bounds = array<i64: 5000, 128>}, {transform_indices = @transform_1, window_bounds = array<i64: 1, 1, 20000>}, {}, {pipeline_mode = #tpu.pipeline_mode<synchronous>, transform_indices = @transform_3, window_bounds = array<i64: 4096, 128>}, {pipeline_mode = #tpu.pipeline_mode<synchronous>, transform_indices = @transform_4, window_bounds = array<i64: 16384, 32>}, {transform_indices = @transform_5, window_bounds = array<i64: 5000, 128>}, {transform_indices = @transform_6, window_bounds = array<i64: 1, 1, 20000>}]} {
    %eq3A = arith.constant 0 : i32
    %eq3A_0 = arith.cmpi eq, %arg0, %eq3A : i32
    %convert_element_type3A = arith.extui %eq3A_0 : i1 to i32
    %cond3A = arith.constant 0 : i32
    %cond3A_1 = arith.cmpi ne, %convert_element_type3A, %cond3A : i32
    scf.if %cond3A_1 {
      %swap3A_51 = arith.constant 0 : i32
      %swap3A_52 = arith.constant 0 : index
      %swap3A_53 = memref.load %arg8[%swap3A_52] : memref<4xi32, #tpu.memory_space<smem>>
      memref.store %swap3A_51, %arg8[%swap3A_52] : memref<4xi32, #tpu.memory_space<smem>>
    } else {
    }
    %get3A = arith.constant 0 : index
    %get3A_2 = memref.load %arg8[%get3A] : memref<4xi32, #tpu.memory_space<smem>>
    %get3A_3 = arith.constant 0 : index
    %get3A_4 = arith.constant 0 : index
    %get3A_5 = arith.constant 0 : index
    %get3A_6 = vector.load %arg2[%get3A_3, %get3A_4, %get3A_5] : memref<1x1x20000xi32, #tpu.memory_space<vmem>>, vector<1x1x20000xi32>
    %get3A_7 = vector.shape_cast %get3A_6 : vector<1x1x20000xi32> to vector<1x20000xi32>
    %get3A_8 = arith.constant dense<0> : vector<1x20000xi32>
    %get3A_9 = arith.cmpi ne, %get3A_7, %get3A_8 : vector<1x20000xi32>
    %not3A = arith.constant dense<true> : vector<1x20000xi1>
    %not3A_10 = arith.xori %get3A_9, %not3A : vector<1x20000xi1>
    %convert_element_type3A_11 = arith.extui %not3A_10 : vector<1x20000xi1> to vector<1x20000xi32>
    %reduce_sum3A = vector.shape_cast %convert_element_type3A_11 : vector<1x20000xi32> to vector<1x1x20000xi32>
    %reduce_sum3A_12 = arith.constant dense<0> : vector<1xi32>
    %reduce_sum3A_13 = vector.multi_reduction <add>, %reduce_sum3A, %reduce_sum3A_12 [1, 2] : vector<1x1x20000xi32> to vector<1xi32>
    %reduce_sum3A_14 = vector.shape_cast %reduce_sum3A_13 : vector<1xi32> to vector<1x1x1xi32>
    %reduce_sum3A_15 = vector.extract %reduce_sum3A_14[0, 0, 0] : i32 from vector<1x1x1xi32>
    %jit3A = arith.constant 4 : i32
    %eq3A_16 = arith.constant 0 : i32
    %eq3A_17 = arith.cmpi eq, %jit3A, %eq3A_16 : i32
    %jit3A_18 = arith.constant 1 : i32
    %select_n3A = arith.select %eq3A_17, %jit3A_18, %jit3A : i32
    %rem3A = arith.remsi %get3A_2, %select_n3A : i32
    %ne3A = arith.constant 0 : i32
    %ne3A_19 = arith.cmpi ne, %rem3A, %ne3A : i32
    %lt3A = arith.constant 0 : i32
    %lt3A_20 = arith.cmpi slt, %rem3A, %lt3A : i32
    %lt3A_21 = arith.constant 0 : i32
    %lt3A_22 = arith.cmpi slt, %select_n3A, %lt3A_21 : i32
    %ne3A_23 = arith.xori %lt3A_20, %lt3A_22 : i1
    %and3A = arith.andi %ne3A_23, %ne3A_19 : i1
    %add3A = arith.addi %rem3A, %select_n3A : i32
    %select_n3A_24 = arith.select %and3A, %add3A, %rem3A : i32
    %eq3A_25 = arith.constant 0 : i32
    %eq3A_26 = arith.cmpi eq, %select_n3A_24, %eq3A_25 : i32
    %ge3A = arith.constant 16384 : i32
    %ge3A_27 = arith.cmpi sge, %get3A_2, %ge3A : i32
    %eq3A_28 = arith.constant 0 : i32
    %eq3A_29 = arith.cmpi eq, %reduce_sum3A_15, %eq3A_28 : i32
    %or3A = arith.ori %ge3A_27, %eq3A_29 : i1
    %eq3A_30 = arith.constant 20000 : i32
    %eq3A_31 = arith.cmpi eq, %reduce_sum3A_15, %eq3A_30 : i32
    %add3A_32 = arith.constant 20000 : i32
    %add3A_33 = arith.addi %get3A_2, %add3A_32 : i32
    %le3A = arith.constant 16384 : i32
    %le3A_34 = arith.cmpi sle, %add3A_33, %le3A : i32
    %and3A_35 = arith.andi %eq3A_31, %le3A_34 : i1
    %and3A_36 = arith.andi %and3A_35, %eq3A_26 : i1
    %or3A_37 = arith.ori %or3A, %and3A_36 : i1
    %not3A_38 = arith.constant true
    %not3A_39 = arith.xori %or3A_37, %not3A_38 : i1
    %convert_element_type3A_40 = arith.extui %or3A : i1 to i32
    %cond3A_41 = arith.constant 0 : i32
    %cond3A_42 = arith.cmpi ne, %convert_element_type3A_40, %cond3A_41 : i32
    scf.if %cond3A_42 {
      %get3A_51 = arith.constant 0 : index
      %get3A_52 = arith.constant 0 : index
      %get3A_53 = vector.load %arg1[%get3A_51, %get3A_52] : memref<5000x128xf32, #tpu.memory_space<vmem>>, vector<5000x128xf32>
      %swap3A_54 = arith.constant 0 : index
      %swap3A_55 = arith.constant 0 : index
      %swap3A_56 = vector.load %arg6[%swap3A_54, %swap3A_55] : memref<5000x128xf32, #tpu.memory_space<vmem>>, vector<5000x128xf32>
      tpu.vector_store %arg6[%swap3A_54, %swap3A_55], %get3A_53 {strides = array<i32>} : memref<5000x128xf32, #tpu.memory_space<vmem>>, vector<5000x128xf32>,
      %get3A_57 = arith.constant 0 : index
      %get3A_58 = arith.constant 0 : index
      %get3A_59 = arith.constant 0 : index
      %get3A_60 = vector.load %arg2[%get3A_57, %get3A_58, %get3A_59] : memref<1x1x20000xi32, #tpu.memory_space<vmem>>, vector<1x1x20000xi32>
      %get3A_61 = arith.constant dense<0> : vector<1x1x20000xi32>
      %get3A_62 = arith.cmpi ne, %get3A_60, %get3A_61 : vector<1x1x20000xi32>
      %swap3A_63 = arith.constant 0 : index
      %swap3A_64 = arith.constant 0 : index
      %swap3A_65 = arith.constant 0 : index
      %swap3A_66 = vector.load %arg7[%swap3A_63, %swap3A_64, %swap3A_65] : memref<1x1x20000xi32, #tpu.memory_space<vmem>>, vector<1x1x20000xi32>
      %swap3A_67 = arith.extui %get3A_62 : vector<1x1x20000xi1> to vector<1x1x20000xi32>
      %swap3A_68 = arith.constant dense<0> : vector<1x1x20000xi32>
      %swap3A_69 = arith.cmpi ne, %swap3A_66, %swap3A_68 : vector<1x1x20000xi32>
      tpu.vector_store %arg7[%swap3A_63, %swap3A_64, %swap3A_65], %swap3A_67 {strides = array<i32>} : memref<1x1x20000xi32, #tpu.memory_space<vmem>>, vector<1x1x20000xi32>,
    } else {
    }
    %convert_element_type3A_43 = arith.extui %and3A_36 : i1 to i32
    %cond3A_44 = arith.constant 0 : i32
    %cond3A_45 = arith.cmpi ne, %convert_element_type3A_43, %cond3A_44 : i32
    scf.if %cond3A_45 {
      %jit3A_51 = arith.constant 4 : i32
      %div3A = arith.divsi %get3A_2, %jit3A_51 : i32
      %sign3A = arith.constant 0 : i32
      %sign3A_52 = arith.cmpi sgt, %get3A_2, %sign3A : i32
      %sign3A_53 = arith.extui %sign3A_52 : i1 to i32
      %sign3A_54 = arith.constant 0 : i32
      %sign3A_55 = arith.cmpi slt, %get3A_2, %sign3A_54 : i32
      %sign3A_56 = arith.extui %sign3A_55 : i1 to i32
      %sign3A_57 = arith.subi %sign3A_53, %sign3A_56 : i32
      %sign3A_58 = arith.constant 0 : i32
      %sign3A_59 = arith.cmpi sgt, %jit3A_51, %sign3A_58 : i32
      %sign3A_60 = arith.extui %sign3A_59 : i1 to i32
      %sign3A_61 = arith.constant 0 : i32
      %sign3A_62 = arith.cmpi slt, %jit3A_51, %sign3A_61 : i32
      %sign3A_63 = arith.extui %sign3A_62 : i1 to i32
      %sign3A_64 = arith.subi %sign3A_60, %sign3A_63 : i32
      %ne3A_65 = arith.cmpi ne, %sign3A_57, %sign3A_64 : i32
      %rem3A_66 = arith.remsi %get3A_2, %jit3A_51 : i32
      %ne3A_67 = arith.constant 0 : i32
      %ne3A_68 = arith.cmpi ne, %rem3A_66, %ne3A_67 : i32
      %and3A_69 = arith.andi %ne3A_65, %ne3A_68 : i1
      %sub3A = arith.constant 1 : i32
      %sub3A_70 = arith.subi %div3A, %sub3A : i32
      %select_n3A_71 = arith.select %and3A_69, %sub3A_70, %div3A : i32
      %get3A_72 = arith.index_cast %select_n3A_71 : i32 to index
      %get3A_73 = arith.constant 0 : index
      %get3A_74 = vector.load %arg4[%get3A_72, %get3A_73] : memref<4096x128xf32, #tpu.memory_space<vmem>>, vector<5000x128xf32>
      %swap3A_75 = arith.constant 0 : index
      %swap3A_76 = arith.constant 0 : index
      %swap3A_77 = vector.load %arg6[%swap3A_75, %swap3A_76] : memref<5000x128xf32, #tpu.memory_space<vmem>>, vector<5000x128xf32>
      tpu.vector_store %arg6[%swap3A_75, %swap3A_76], %get3A_74 {strides = array<i32>} : memref<5000x128xf32, #tpu.memory_space<vmem>>, vector<5000x128xf32>,
      %broadcast_in_dim3A = arith.constant true
      %broadcast_in_dim3A_78 = vector.broadcast %broadcast_in_dim3A : i1 to vector<1x1x20000xi1>
      %swap3A_79 = arith.constant 0 : index
      %swap3A_80 = arith.constant 0 : index
      %swap3A_81 = arith.constant 0 : index
      %swap3A_82 = vector.load %arg7[%swap3A_79, %swap3A_80, %swap3A_81] : memref<1x1x20000xi32, #tpu.memory_space<vmem>>, vector<1x1x20000xi32>
      %swap3A_83 = arith.extui %broadcast_in_dim3A_78 : vector<1x1x20000xi1> to vector<1x1x20000xi32>
      %swap3A_84 = arith.constant dense<0> : vector<1x1x20000xi32>
      %swap3A_85 = arith.cmpi ne, %swap3A_82, %swap3A_84 : vector<1x1x20000xi32>
      tpu.vector_store %arg7[%swap3A_79, %swap3A_80, %swap3A_81], %swap3A_83 {strides = array<i32>} : memref<1x1x20000xi32, #tpu.memory_space<vmem>>, vector<1x1x20000xi32>,
    } else {
    }
    %convert_element_type3A_46 = arith.extui %not3A_39 : i1 to i32
    %cond3A_47 = arith.constant 0 : i32
    %cond3A_48 = arith.cmpi ne, %convert_element_type3A_46, %cond3A_47 : i32
    scf.if %cond3A_48 {
      %get3A_51 = arith.constant 0 : index
      %get3A_52 = arith.constant 0 : index
      %get3A_53 = vector.load %arg1[%get3A_51, %get3A_52] : memref<5000x128xf32, #tpu.memory_space<vmem>>, vector<5000x128xf32>
      %swap3A_54 = arith.constant 0 : index
      %swap3A_55 = arith.constant 0 : index
      %swap3A_56 = vector.load %arg6[%swap3A_54, %swap3A_55] : memref<5000x128xf32, #tpu.memory_space<vmem>>, vector<5000x128xf32>
      tpu.vector_store %arg6[%swap3A_54, %swap3A_55], %get3A_53 {strides = array<i32>} : memref<5000x128xf32, #tpu.memory_space<vmem>>, vector<5000x128xf32>,
      %iota3A = tpu.iota {dimensions = array<i32: 1>} : vector<1x20000xi32>
      %ge3A_57 = arith.constant 1 : i32
      %ge3A_58 = vector.broadcast %ge3A_57 : i32 to vector<1x20000xi32>
      %ge3A_59 = arith.cmpi sge, %iota3A, %ge3A_58 : vector<1x20000xi32>
      %slice3A = vector.extract_strided_slice %convert_element_type3A_11 {offsets = [0, 19999], sizes = [1, 1], strides = [1, 1]} : vector<1x20000xi32> to vector<1x1xi32>
      %slice3A_60 = vector.extract_strided_slice %convert_element_type3A_11 {offsets = [0, 0], sizes = [1, 19999], strides = [1, 1]} : vector<1x20000xi32> to vector<1x19999xi32>
      %concatenate3A = tpu.concatenate %slice3A, %slice3A_60 in 1 : vector<1x1xi32>, vector<1x19999xi32> -> vector<1x20000xi32>
      %jit3A_61 = arith.constant 0 : i32
      %broadcast_in_dim3A = vector.broadcast %jit3A_61 : i32 to vector<1x20000xi32>
      %select_n3A_62 = arith.select %ge3A_59, %concatenate3A, %broadcast_in_dim3A : vector<1x20000xi1>, vector<1x20000xi32>
      %add3A_63 = arith.addi %convert_element_type3A_11, %select_n3A_62 : vector<1x20000xi32>
      %ge3A_64 = arith.constant 2 : i32
      %ge3A_65 = vector.broadcast %ge3A_64 : i32 to vector<1x20000xi32>
      %ge3A_66 = arith.cmpi sge, %iota3A, %ge3A_65 : vector<1x20000xi32>
      %slice3A_67 = vector.extract_strided_slice %add3A_63 {offsets = [0, 19998], sizes = [1, 2], strides = [1, 1]} : vector<1x20000xi32> to vector<1x2xi32>
      %slice3A_68 = vector.extract_strided_slice %add3A_63 {offsets = [0, 0], sizes = [1, 19998], strides = [1, 1]} : vector<1x20000xi32> to vector<1x19998xi32>
      %concatenate3A_69 = tpu.concatenate %slice3A_67, %slice3A_68 in 1 : vector<1x2xi32>, vector<1x19998xi32> -> vector<1x20000xi32>
      %jit3A_70 = arith.constant 0 : i32
      %broadcast_in_dim3A_71 = vector.broadcast %jit3A_70 : i32 to vector<1x20000xi32>
      %select_n3A_72 = arith.select %ge3A_66, %concatenate3A_69, %broadcast_in_dim3A_71 : vector<1x20000xi1>, vector<1x20000xi32>
      %add3A_73 = arith.addi %add3A_63, %select_n3A_72 : vector<1x20000xi32>
      %ge3A_74 = arith.constant 4 : i32
      %ge3A_75 = vector.broadcast %ge3A_74 : i32 to vector<1x20000xi32>
      %ge3A_76 = arith.cmpi sge, %iota3A, %ge3A_75 : vector<1x20000xi32>
      %slice3A_77 = vector.extract_strided_slice %add3A_73 {offsets = [0, 19996], sizes = [1, 4], strides = [1, 1]} : vector<1x20000xi32> to vector<1x4xi32>
      %slice3A_78 = vector.extract_strided_slice %add3A_73 {offsets = [0, 0], sizes = [1, 19996], strides = [1, 1]} : vector<1x20000xi32> to vector<1x19996xi32>
      %concatenate3A_79 = tpu.concatenate %slice3A_77, %slice3A_78 in 1 : vector<1x4xi32>, vector<1x19996xi32> -> vector<1x20000xi32>
      %jit3A_80 = arith.constant 0 : i32
      %broadcast_in_dim3A_81 = vector.broadcast %jit3A_80 : i32 to vector<1x20000xi32>
      %select_n3A_82 = arith.select %ge3A_76, %concatenate3A_79, %broadcast_in_dim3A_81 : vector<1x20000xi1>, vector<1x20000xi32>
      %add3A_83 = arith.addi %add3A_73, %select_n3A_82 : vector<1x20000xi32>
      %ge3A_84 = arith.constant 8 : i32
      %ge3A_85 = vector.broadcast %ge3A_84 : i32 to vector<1x20000xi32>
      %ge3A_86 = arith.cmpi sge, %iota3A, %ge3A_85 : vector<1x20000xi32>
      %slice3A_87 = vector.extract_strided_slice %add3A_83 {offsets = [0, 19992], sizes = [1, 8], strides = [1, 1]} : vector<1x20000xi32> to vector<1x8xi32>
      %slice3A_88 = vector.extract_strided_slice %add3A_83 {offsets = [0, 0], sizes = [1, 19992], strides = [1, 1]} : vector<1x20000xi32> to vector<1x19992xi32>
      %concatenate3A_89 = tpu.concatenate %slice3A_87, %slice3A_88 in 1 : vector<1x8xi32>, vector<1x19992xi32> -> vector<1x20000xi32>
      %jit3A_90 = arith.constant 0 : i32
      %broadcast_in_dim3A_91 = vector.broadcast %jit3A_90 : i32 to vector<1x20000xi32>
      %select_n3A_92 = arith.select %ge3A_86, %concatenate3A_89, %broadcast_in_dim3A_91 : vector<1x20000xi1>, vector<1x20000xi32>
      %add3A_93 = arith.addi %add3A_83, %select_n3A_92 : vector<1x20000xi32>
      %ge3A_94 = arith.constant 16 : i32
      %ge3A_95 = vector.broadcast %ge3A_94 : i32 to vector<1x20000xi32>
      %ge3A_96 = arith.cmpi sge, %iota3A, %ge3A_95 : vector<1x20000xi32>
      %slice3A_97 = vector.extract_strided_slice %add3A_93 {offsets = [0, 19984], sizes = [1, 16], strides = [1, 1]} : vector<1x20000xi32> to vector<1x16xi32>
      %slice3A_98 = vector.extract_strided_slice %add3A_93 {offsets = [0, 0], sizes = [1, 19984], strides = [1, 1]} : vector<1x20000xi32> to vector<1x19984xi32>
      %concatenate3A_99 = tpu.concatenate %slice3A_97, %slice3A_98 in 1 : vector<1x16xi32>, vector<1x19984xi32> -> vector<1x20000xi32>
      %jit3A_100 = arith.constant 0 : i32
      %broadcast_in_dim3A_101 = vector.broadcast %jit3A_100 : i32 to vector<1x20000xi32>
      %select_n3A_102 = arith.select %ge3A_96, %concatenate3A_99, %broadcast_in_dim3A_101 : vector<1x20000xi1>, vector<1x20000xi32>
      %add3A_103 = arith.addi %add3A_93, %select_n3A_102 : vector<1x20000xi32>
      %ge3A_104 = arith.constant 32 : i32
      %ge3A_105 = vector.broadcast %ge3A_104 : i32 to vector<1x20000xi32>
      %ge3A_106 = arith.cmpi sge, %iota3A, %ge3A_105 : vector<1x20000xi32>
      %slice3A_107 = vector.extract_strided_slice %add3A_103 {offsets = [0, 19968], sizes = [1, 32], strides = [1, 1]} : vector<1x20000xi32> to vector<1x32xi32>
      %slice3A_108 = vector.extract_strided_slice %add3A_103 {offsets = [0, 0], sizes = [1, 19968], strides = [1, 1]} : vector<1x20000xi32> to vector<1x19968xi32>
      %concatenate3A_109 = tpu.concatenate %slice3A_107, %slice3A_108 in 1 : vector<1x32xi32>, vector<1x19968xi32> -> vector<1x20000xi32>
      %jit3A_110 = arith.constant 0 : i32
      %broadcast_in_dim3A_111 = vector.broadcast %jit3A_110 : i32 to vector<1x20000xi32>
      %select_n3A_112 = arith.select %ge3A_106, %concatenate3A_109, %broadcast_in_dim3A_111 : vector<1x20000xi1>, vector<1x20000xi32>
      %add3A_113 = arith.addi %add3A_103, %select_n3A_112 : vector<1x20000xi32>
      %ge3A_114 = arith.constant 64 : i32
      %ge3A_115 = vector.broadcast %ge3A_114 : i32 to vector<1x20000xi32>
      %ge3A_116 = arith.cmpi sge, %iota3A, %ge3A_115 : vector<1x20000xi32>
      %slice3A_117 = vector.extract_strided_slice %add3A_113 {offsets = [0, 19936], sizes = [1, 64], strides = [1, 1]} : vector<1x20000xi32> to vector<1x64xi32>
      %slice3A_118 = vector.extract_strided_slice %add3A_113 {offsets = [0, 0], sizes = [1, 19936], strides = [1, 1]} : vector<1x20000xi32> to vector<1x19936xi32>
      %concatenate3A_119 = tpu.concatenate %slice3A_117, %slice3A_118 in 1 : vector<1x64xi32>, vector<1x19936xi32> -> vector<1x20000xi32>
      %jit3A_120 = arith.constant 0 : i32
      %broadcast_in_dim3A_121 = vector.broadcast %jit3A_120 : i32 to vector<1x20000xi32>
      %select_n3A_122 = arith.select %ge3A_116, %concatenate3A_119, %broadcast_in_dim3A_121 : vector<1x20000xi1>, vector<1x20000xi32>
      %add3A_123 = arith.addi %add3A_113, %select_n3A_122 : vector<1x20000xi32>
      %ge3A_124 = arith.constant 128 : i32
      %ge3A_125 = vector.broadcast %ge3A_124 : i32 to vector<1x20000xi32>
      %ge3A_126 = arith.cmpi sge, %iota3A, %ge3A_125 : vector<1x20000xi32>
      %slice3A_127 = vector.extract_strided_slice %add3A_123 {offsets = [0, 19872], sizes = [1, 128], strides = [1, 1]} : vector<1x20000xi32> to vector<1x128xi32>
      %slice3A_128 = vector.extract_strided_slice %add3A_123 {offsets = [0, 0], sizes = [1, 19872], strides = [1, 1]} : vector<1x20000xi32> to vector<1x19872xi32>
      %concatenate3A_129 = tpu.concatenate %slice3A_127, %slice3A_128 in 1 : vector<1x128xi32>, vector<1x19872xi32> -> vector<1x20000xi32>
      %jit3A_130 = arith.constant 0 : i32
      %broadcast_in_dim3A_131 = vector.broadcast %jit3A_130 : i32 to vector<1x20000xi32>
      %select_n3A_132 = arith.select %ge3A_126, %concatenate3A_129, %broadcast_in_dim3A_131 : vector<1x20000xi1>, vector<1x20000xi32>
      %add3A_133 = arith.addi %add3A_123, %select_n3A_132 : vector<1x20000xi32>
      %ge3A_134 = arith.constant 256 : i32
      %ge3A_135 = vector.broadcast %ge3A_134 : i32 to vector<1x20000xi32>
      %ge3A_136 = arith.cmpi sge, %iota3A, %ge3A_135 : vector<1x20000xi32>
      %slice3A_137 = vector.extract_strided_slice %add3A_133 {offsets = [0, 19744], sizes = [1, 256], strides = [1, 1]} : vector<1x20000xi32> to vector<1x256xi32>
      %slice3A_138 = vector.extract_strided_slice %add3A_133 {offsets = [0, 0], sizes = [1, 19744], strides = [1, 1]} : vector<1x20000xi32> to vector<1x19744xi32>
      %concatenate3A_139 = tpu.concatenate %slice3A_137, %slice3A_138 in 1 : vector<1x256xi32>, vector<1x19744xi32> -> vector<1x20000xi32>
      %jit3A_140 = arith.constant 0 : i32
      %broadcast_in_dim3A_141 = vector.broadcast %jit3A_140 : i32 to vector<1x20000xi32>
      %select_n3A_142 = arith.select %ge3A_136, %concatenate3A_139, %broadcast_in_dim3A_141 : vector<1x20000xi1>, vector<1x20000xi32>
      %add3A_143 = arith.addi %add3A_133, %select_n3A_142 : vector<1x20000xi32>
      %ge3A_144 = arith.constant 512 : i32
      %ge3A_145 = vector.broadcast %ge3A_144 : i32 to vector<1x20000xi32>
      %ge3A_146 = arith.cmpi sge, %iota3A, %ge3A_145 : vector<1x20000xi32>
      %slice3A_147 = vector.extract_strided_slice %add3A_143 {offsets = [0, 19488], sizes = [1, 512], strides = [1, 1]} : vector<1x20000xi32> to vector<1x512xi32>
      %slice3A_148 = vector.extract_strided_slice %add3A_143 {offsets = [0, 0], sizes = [1, 19488], strides = [1, 1]} : vector<1x20000xi32> to vector<1x19488xi32>
      %concatenate3A_149 = tpu.concatenate %slice3A_147, %slice3A_148 in 1 : vector<1x512xi32>, vector<1x19488xi32> -> vector<1x20000xi32>
      %jit3A_150 = arith.constant 0 : i32
      %broadcast_in_dim3A_151 = vector.broadcast %jit3A_150 : i32 to vector<1x20000xi32>
      %select_n3A_152 = arith.select %ge3A_146, %concatenate3A_149, %broadcast_in_dim3A_151 : vector<1x20000xi1>, vector<1x20000xi32>
      %add3A_153 = arith.addi %add3A_143, %select_n3A_152 : vector<1x20000xi32>
      %ge3A_154 = arith.constant 1024 : i32
      %ge3A_155 = vector.broadcast %ge3A_154 : i32 to vector<1x20000xi32>
      %ge3A_156 = arith.cmpi sge, %iota3A, %ge3A_155 : vector<1x20000xi32>
      %slice3A_157 = vector.extract_strided_slice %add3A_153 {offsets = [0, 18976], sizes = [1, 1024], strides = [1, 1]} : vector<1x20000xi32> to vector<1x1024xi32>
      %slice3A_158 = vector.extract_strided_slice %add3A_153 {offsets = [0, 0], sizes = [1, 18976], strides = [1, 1]} : vector<1x20000xi32> to vector<1x18976xi32>
      %concatenate3A_159 = tpu.concatenate %slice3A_157, %slice3A_158 in 1 : vector<1x1024xi32>, vector<1x18976xi32> -> vector<1x20000xi32>
      %jit3A_160 = arith.constant 0 : i32
      %broadcast_in_dim3A_161 = vector.broadcast %jit3A_160 : i32 to vector<1x20000xi32>
      %select_n3A_162 = arith.select %ge3A_156, %concatenate3A_159, %broadcast_in_dim3A_161 : vector<1x20000xi1>, vector<1x20000xi32>
      %add3A_163 = arith.addi %add3A_153, %select_n3A_162 : vector<1x20000xi32>
      %ge3A_164 = arith.constant 2048 : i32
      %ge3A_165 = vector.broadcast %ge3A_164 : i32 to vector<1x20000xi32>
      %ge3A_166 = arith.cmpi sge, %iota3A, %ge3A_165 : vector<1x20000xi32>
      %slice3A_167 = vector.extract_strided_slice %add3A_163 {offsets = [0, 17952], sizes = [1, 2048], strides = [1, 1]} : vector<1x20000xi32> to vector<1x2048xi32>
      %slice3A_168 = vector.extract_strided_slice %add3A_163 {offsets = [0, 0], sizes = [1, 17952], strides = [1, 1]} : vector<1x20000xi32> to vector<1x17952xi32>
      %concatenate3A_169 = tpu.concatenate %slice3A_167, %slice3A_168 in 1 : vector<1x2048xi32>, vector<1x17952xi32> -> vector<1x20000xi32>
      %jit3A_170 = arith.constant 0 : i32
      %broadcast_in_dim3A_171 = vector.broadcast %jit3A_170 : i32 to vector<1x20000xi32>
      %select_n3A_172 = arith.select %ge3A_166, %concatenate3A_169, %broadcast_in_dim3A_171 : vector<1x20000xi1>, vector<1x20000xi32>
      %add3A_173 = arith.addi %add3A_163, %select_n3A_172 : vector<1x20000xi32>
      %ge3A_174 = arith.constant 4096 : i32
      %ge3A_175 = vector.broadcast %ge3A_174 : i32 to vector<1x20000xi32>
      %ge3A_176 = arith.cmpi sge, %iota3A, %ge3A_175 : vector<1x20000xi32>
      %slice3A_177 = vector.extract_strided_slice %add3A_173 {offsets = [0, 15904], sizes = [1, 4096], strides = [1, 1]} : vector<1x20000xi32> to vector<1x4096xi32>
      %slice3A_178 = vector.extract_strided_slice %add3A_173 {offsets = [0, 0], sizes = [1, 15904], strides = [1, 1]} : vector<1x20000xi32> to vector<1x15904xi32>
      %concatenate3A_179 = tpu.concatenate %slice3A_177, %slice3A_178 in 1 : vector<1x4096xi32>, vector<1x15904xi32> -> vector<1x20000xi32>
      %jit3A_180 = arith.constant 0 : i32
      %broadcast_in_dim3A_181 = vector.broadcast %jit3A_180 : i32 to vector<1x20000xi32>
      %select_n3A_182 = arith.select %ge3A_176, %concatenate3A_179, %broadcast_in_dim3A_181 : vector<1x20000xi1>, vector<1x20000xi32>
      %add3A_183 = arith.addi %add3A_173, %select_n3A_182 : vector<1x20000xi32>
      %ge3A_184 = arith.constant 8192 : i32
      %ge3A_185 = vector.broadcast %ge3A_184 : i32 to vector<1x20000xi32>
      %ge3A_186 = arith.cmpi sge, %iota3A, %ge3A_185 : vector<1x20000xi32>
      %slice3A_187 = vector.extract_strided_slice %add3A_183 {offsets = [0, 11808], sizes = [1, 8192], strides = [1, 1]} : vector<1x20000xi32> to vector<1x8192xi32>
      %slice3A_188 = vector.extract_strided_slice %add3A_183 {offsets = [0, 0], sizes = [1, 11808], strides = [1, 1]} : vector<1x20000xi32> to vector<1x11808xi32>
      %concatenate3A_189 = tpu.concatenate %slice3A_187, %slice3A_188 in 1 : vector<1x8192xi32>, vector<1x11808xi32> -> vector<1x20000xi32>
      %jit3A_190 = arith.constant 0 : i32
      %broadcast_in_dim3A_191 = vector.broadcast %jit3A_190 : i32 to vector<1x20000xi32>
      %select_n3A_192 = arith.select %ge3A_186, %concatenate3A_189, %broadcast_in_dim3A_191 : vector<1x20000xi1>, vector<1x20000xi32>
      %add3A_193 = arith.addi %add3A_183, %select_n3A_192 : vector<1x20000xi32>
      %ge3A_194 = arith.constant 16384 : i32
      %ge3A_195 = vector.broadcast %ge3A_194 : i32 to vector<1x20000xi32>
      %ge3A_196 = arith.cmpi sge, %iota3A, %ge3A_195 : vector<1x20000xi32>
      %slice3A_197 = vector.extract_strided_slice %add3A_193 {offsets = [0, 3616], sizes = [1, 16384], strides = [1, 1]} : vector<1x20000xi32> to vector<1x16384xi32>
      %slice3A_198 = vector.extract_strided_slice %add3A_193 {offsets = [0, 0], sizes = [1, 3616], strides = [1, 1]} : vector<1x20000xi32> to vector<1x3616xi32>
      %concatenate3A_199 = tpu.concatenate %slice3A_197, %slice3A_198 in 1 : vector<1x16384xi32>, vector<1x3616xi32> -> vector<1x20000xi32>
      %jit3A_200 = arith.constant 0 : i32
      %broadcast_in_dim3A_201 = vector.broadcast %jit3A_200 : i32 to vector<1x20000xi32>
      %select_n3A_202 = arith.select %ge3A_196, %concatenate3A_199, %broadcast_in_dim3A_201 : vector<1x20000xi1>, vector<1x20000xi32>
      %add3A_203 = arith.addi %add3A_193, %select_n3A_202 : vector<1x20000xi32>
      %sub3A = arith.subi %add3A_203, %convert_element_type3A_11 : vector<1x20000xi32>
      %add3A_204 = vector.broadcast %get3A_2 : i32 to vector<1x20000xi32>
      %add3A_205 = arith.addi %add3A_204, %sub3A : vector<1x20000xi32>
      %gt3A = arith.constant 0 : i32
      %gt3A_206 = vector.broadcast %gt3A : i32 to vector<1x20000xi32>
      %gt3A_207 = arith.cmpi sgt, %convert_element_type3A_11, %gt3A_206 : vector<1x20000xi32>
      %lt3A_208 = arith.constant 16384 : i32
      %lt3A_209 = vector.broadcast %lt3A_208 : i32 to vector<1x20000xi32>
      %lt3A_210 = arith.cmpi slt, %add3A_205, %lt3A_209 : vector<1x20000xi32>
      %and3A_211 = arith.andi %gt3A_207, %lt3A_210 : vector<1x20000xi1>
      %or3A_212 = arith.ori %get3A_9, %and3A_211 : vector<1x20000xi1>
      %reshape3A = vector.shape_cast %or3A_212 : vector<1x20000xi1> to vector<1x1x20000xi1>
      %swap3A_213 = arith.constant 0 : index
      %swap3A_214 = arith.constant 0 : index
      %swap3A_215 = arith.constant 0 : index
      %swap3A_216 = vector.load %arg7[%swap3A_213, %swap3A_214, %swap3A_215] : memref<1x1x20000xi32, #tpu.memory_space<vmem>>, vector<1x1x20000xi32>
      %swap3A_217 = arith.extui %reshape3A : vector<1x1x20000xi1> to vector<1x1x20000xi32>
      %swap3A_218 = arith.constant dense<0> : vector<1x1x20000xi32>
      %swap3A_219 = arith.cmpi ne, %swap3A_216, %swap3A_218 : vector<1x1x20000xi32>
      tpu.vector_store %arg7[%swap3A_213, %swap3A_214, %swap3A_215], %swap3A_217 {strides = array<i32>} : memref<1x1x20000xi32, #tpu.memory_space<vmem>>, vector<1x1x20000xi32>,
      %jit3A_220 = arith.constant 20000 : i32
      %broadcast_in_dim3A_221 = vector.broadcast %jit3A_220 : i32 to vector<1x20000xi32>
      %select_n3A_222 = arith.select %get3A_9, %iota3A, %broadcast_in_dim3A_221 : vector<1x20000xi1>, vector<1x20000xi32>
      %reduce_min3A = vector.shape_cast %select_n3A_222 : vector<1x20000xi32> to vector<1x1x20000xi32>
      %reduce_min3A_223 = arith.constant dense<2147483647> : vector<1xi32>
      %reduce_min3A_224 = vector.multi_reduction <minsi>, %reduce_min3A, %reduce_min3A_223 [1, 2] : vector<1x1x20000xi32> to vector<1xi32>
      %reduce_min3A_225 = vector.shape_cast %reduce_min3A_224 : vector<1xi32> to vector<1x1x1xi32>
      %reduce_min3A_226 = vector.extract %reduce_min3A_225[0, 0, 0] : i32 from vector<1x1x1xi32>
      %sub3A_227 = arith.constant 16384 : i32
      %sub3A_228 = arith.subi %sub3A_227, %get3A_2 : i32
      %min3A = arith.minsi %reduce_min3A_226, %sub3A_228 : i32
      %shift_right_arithmetic3A = arith.constant 2 : i32
      %shift_right_arithmetic3A_229 = arith.shrsi %min3A, %shift_right_arithmetic3A : i32
      %shift_left3A = arith.constant 2 : i32
      %shift_left3A_230 = arith.shli %shift_right_arithmetic3A_229, %shift_left3A : i32
      %jit3A_231 = arith.constant 0 : i32
      %select_n3A_232 = arith.select %eq3A_26, %shift_left3A_230, %jit3A_231 : i32
      %shift_right_arithmetic3A_233 = arith.constant 15 : i32
      %shift_right_arithmetic3A_234 = arith.shrsi %select_n3A_232, %shift_right_arithmetic3A_233 : i32
      %shift_left3A_235 = arith.constant 15 : i32
      %shift_left3A_236 = arith.shli %shift_right_arithmetic3A_234, %shift_left3A_235 : i32
      %shift_right_arithmetic3A_237 = arith.constant 14 : i32
      %shift_right_arithmetic3A_238 = arith.shrsi %select_n3A_232, %shift_right_arithmetic3A_237 : i32
      %and3A_239 = arith.constant 1 : i32
      %and3A_240 = arith.andi %shift_right_arithmetic3A_238, %and3A_239 : i32
      %eq3A_241 = arith.constant 1 : i32
      %eq3A_242 = arith.cmpi eq, %and3A_240, %eq3A_241 : i32
      %convert_element_type3A_243 = arith.extui %eq3A_242 : i1 to i32
      %cond3A_244 = arith.constant 0 : i32
      %cond3A_245 = arith.cmpi ne, %convert_element_type3A_243, %cond3A_244 : i32
      scf.if %cond3A_245 {
        %add3A_431 = arith.addi %get3A_2, %shift_left3A_236 : i32
        %shift_right_arithmetic3A_432 = arith.constant 2 : i32
        %shift_right_arithmetic3A_433 = arith.shrsi %add3A_431, %shift_right_arithmetic3A_432 : i32
        %get3A_434 = arith.index_cast %shift_right_arithmetic3A_433 : i32 to index
        %get3A_435 = arith.constant 0 : index
        %get3A_436 = vector.load %arg4[%get3A_434, %get3A_435] : memref<4096x128xf32, #tpu.memory_space<vmem>>, vector<4096x128xf32>
        %shift_right_arithmetic3A_437 = arith.constant 2 : i32
        %shift_right_arithmetic3A_438 = arith.shrsi %shift_left3A_236, %shift_right_arithmetic3A_437 : i32
        %swap3A_439 = arith.index_cast %shift_right_arithmetic3A_438 : i32 to index
        %swap3A_440 = arith.constant 0 : index
        %swap3A_441 = vector.load %arg6[%swap3A_439, %swap3A_440] : memref<5000x128xf32, #tpu.memory_space<vmem>>, vector<4096x128xf32>
        tpu.vector_store %arg6[%swap3A_439, %swap3A_440], %get3A_436 {strides = array<i32>} : memref<5000x128xf32, #tpu.memory_space<vmem>>, vector<4096x128xf32>,
      } else {
      }
      %shift_right_arithmetic3A_246 = arith.constant 14 : i32
      %shift_right_arithmetic3A_247 = arith.shrsi %select_n3A_232, %shift_right_arithmetic3A_246 : i32
      %shift_left3A_248 = arith.constant 14 : i32
      %shift_left3A_249 = arith.shli %shift_right_arithmetic3A_247, %shift_left3A_248 : i32
      %shift_right_arithmetic3A_250 = arith.constant 13 : i32
      %shift_right_arithmetic3A_251 = arith.shrsi %select_n3A_232, %shift_right_arithmetic3A_250 : i32
      %and3A_252 = arith.constant 1 : i32
      %and3A_253 = arith.andi %shift_right_arithmetic3A_251, %and3A_252 : i32
      %eq3A_254 = arith.constant 1 : i32
      %eq3A_255 = arith.cmpi eq, %and3A_253, %eq3A_254 : i32
      %convert_element_type3A_256 = arith.extui %eq3A_255 : i1 to i32
      %cond3A_257 = arith.constant 0 : i32
      %cond3A_258 = arith.cmpi ne, %convert_element_type3A_256, %cond3A_257 : i32
      scf.if %cond3A_258 {
        %add3A_431 = arith.addi %get3A_2, %shift_left3A_249 : i32
        %shift_right_arithmetic3A_432 = arith.constant 2 : i32
        %shift_right_arithmetic3A_433 = arith.shrsi %add3A_431, %shift_right_arithmetic3A_432 : i32
        %get3A_434 = arith.index_cast %shift_right_arithmetic3A_433 : i32 to index
        %get3A_435 = arith.constant 0 : index
        %get3A_436 = vector.load %arg4[%get3A_434, %get3A_435] : memref<4096x128xf32, #tpu.memory_space<vmem>>, vector<2048x128xf32>
        %shift_right_arithmetic3A_437 = arith.constant 2 : i32
        %shift_right_arithmetic3A_438 = arith.shrsi %shift_left3A_249, %shift_right_arithmetic3A_437 : i32
        %swap3A_439 = arith.index_cast %shift_right_arithmetic3A_438 : i32 to index
        %swap3A_440 = arith.constant 0 : index
        %swap3A_441 = vector.load %arg6[%swap3A_439, %swap3A_440] : memref<5000x128xf32, #tpu.memory_space<vmem>>, vector<2048x128xf32>
        tpu.vector_store %arg6[%swap3A_439, %swap3A_440], %get3A_436 {strides = array<i32>} : memref<5000x128xf32, #tpu.memory_space<vmem>>, vector<2048x128xf32>,
      } else {
      }
      %shift_right_arithmetic3A_259 = arith.constant 13 : i32
      %shift_right_arithmetic3A_260 = arith.shrsi %select_n3A_232, %shift_right_arithmetic3A_259 : i32
      %shift_left3A_261 = arith.constant 13 : i32
      %shift_left3A_262 = arith.shli %shift_right_arithmetic3A_260, %shift_left3A_261 : i32
      %shift_right_arithmetic3A_263 = arith.constant 12 : i32
      %shift_right_arithmetic3A_264 = arith.shrsi %select_n3A_232, %shift_right_arithmetic3A_263 : i32
      %and3A_265 = arith.constant 1 : i32
      %and3A_266 = arith.andi %shift_right_arithmetic3A_264, %and3A_265 : i32
      %eq3A_267 = arith.constant 1 : i32
      %eq3A_268 = arith.cmpi eq, %and3A_266, %eq3A_267 : i32
      %convert_element_type3A_269 = arith.extui %eq3A_268 : i1 to i32
      %cond3A_270 = arith.constant 0 : i32
      %cond3A_271 = arith.cmpi ne, %convert_element_type3A_269, %cond3A_270 : i32
      scf.if %cond3A_271 {
        %add3A_431 = arith.addi %get3A_2, %shift_left3A_262 : i32
        %shift_right_arithmetic3A_432 = arith.constant 2 : i32
        %shift_right_arithmetic3A_433 = arith.shrsi %add3A_431, %shift_right_arithmetic3A_432 : i32
        %get3A_434 = arith.index_cast %shift_right_arithmetic3A_433 : i32 to index
        %get3A_435 = arith.constant 0 : index
        %get3A_436 = vector.load %arg4[%get3A_434, %get3A_435] : memref<4096x128xf32, #tpu.memory_space<vmem>>, vector<1024x128xf32>
        %shift_right_arithmetic3A_437 = arith.constant 2 : i32
        %shift_right_arithmetic3A_438 = arith.shrsi %shift_left3A_262, %shift_right_arithmetic3A_437 : i32
        %swap3A_439 = arith.index_cast %shift_right_arithmetic3A_438 : i32 to index
        %swap3A_440 = arith.constant 0 : index
        %swap3A_441 = vector.load %arg6[%swap3A_439, %swap3A_440] : memref<5000x128xf32, #tpu.memory_space<vmem>>, vector<1024x128xf32>
        tpu.vector_store %arg6[%swap3A_439, %swap3A_440], %get3A_436 {strides = array<i32>} : memref<5000x128xf32, #tpu.memory_space<vmem>>, vector<1024x128xf32>,
      } else {
      }
      %shift_right_arithmetic3A_272 = arith.constant 12 : i32
      %shift_right_arithmetic3A_273 = arith.shrsi %select_n3A_232, %shift_right_arithmetic3A_272 : i32
      %shift_left3A_274 = arith.constant 12 : i32
      %shift_left3A_275 = arith.shli %shift_right_arithmetic3A_273, %shift_left3A_274 : i32
      %shift_right_arithmetic3A_276 = arith.constant 11 : i32
      %shift_right_arithmetic3A_277 = arith.shrsi %select_n3A_232, %shift_right_arithmetic3A_276 : i32
      %and3A_278 = arith.constant 1 : i32
      %and3A_279 = arith.andi %shift_right_arithmetic3A_277, %and3A_278 : i32
      %eq3A_280 = arith.constant 1 : i32
      %eq3A_281 = arith.cmpi eq, %and3A_279, %eq3A_280 : i32
      %convert_element_type3A_282 = arith.extui %eq3A_281 : i1 to i32
      %cond3A_283 = arith.constant 0 : i32
      %cond3A_284 = arith.cmpi ne, %convert_element_type3A_282, %cond3A_283 : i32
      scf.if %cond3A_284 {
        %add3A_431 = arith.addi %get3A_2, %shift_left3A_275 : i32
        %shift_right_arithmetic3A_432 = arith.constant 2 : i32
        %shift_right_arithmetic3A_433 = arith.shrsi %add3A_431, %shift_right_arithmetic3A_432 : i32
        %get3A_434 = arith.index_cast %shift_right_arithmetic3A_433 : i32 to index
        %get3A_435 = arith.constant 0 : index
        %get3A_436 = vector.load %arg4[%get3A_434, %get3A_435] : memref<4096x128xf32, #tpu.memory_space<vmem>>, vector<512x128xf32>
        %shift_right_arithmetic3A_437 = arith.constant 2 : i32
        %shift_right_arithmetic3A_438 = arith.shrsi %shift_left3A_275, %shift_right_arithmetic3A_437 : i32
        %swap3A_439 = arith.index_cast %shift_right_arithmetic3A_438 : i32 to index
        %swap3A_440 = arith.constant 0 : index
        %swap3A_441 = vector.load %arg6[%swap3A_439, %swap3A_440] : memref<5000x128xf32, #tpu.memory_space<vmem>>, vector<512x128xf32>
        tpu.vector_store %arg6[%swap3A_439, %swap3A_440], %get3A_436 {strides = array<i32>} : memref<5000x128xf32, #tpu.memory_space<vmem>>, vector<512x128xf32>,
      } else {
      }
      %shift_right_arithmetic3A_285 = arith.constant 11 : i32
      %shift_right_arithmetic3A_286 = arith.shrsi %select_n3A_232, %shift_right_arithmetic3A_285 : i32
      %shift_left3A_287 = arith.constant 11 : i32
      %shift_left3A_288 = arith.shli %shift_right_arithmetic3A_286, %shift_left3A_287 : i32
      %shift_right_arithmetic3A_289 = arith.constant 10 : i32
      %shift_right_arithmetic3A_290 = arith.shrsi %select_n3A_232, %shift_right_arithmetic3A_289 : i32
      %and3A_291 = arith.constant 1 : i32
      %and3A_292 = arith.andi %shift_right_arithmetic3A_290, %and3A_291 : i32
      %eq3A_293 = arith.constant 1 : i32
      %eq3A_294 = arith.cmpi eq, %and3A_292, %eq3A_293 : i32
      %convert_element_type3A_295 = arith.extui %eq3A_294 : i1 to i32
      %cond3A_296 = arith.constant 0 : i32
      %cond3A_297 = arith.cmpi ne, %convert_element_type3A_295, %cond3A_296 : i32
      scf.if %cond3A_297 {
        %add3A_431 = arith.addi %get3A_2, %shift_left3A_288 : i32
        %shift_right_arithmetic3A_432 = arith.constant 2 : i32
        %shift_right_arithmetic3A_433 = arith.shrsi %add3A_431, %shift_right_arithmetic3A_432 : i32
        %get3A_434 = arith.index_cast %shift_right_arithmetic3A_433 : i32 to index
        %get3A_435 = arith.constant 0 : index
        %get3A_436 = vector.load %arg4[%get3A_434, %get3A_435] : memref<4096x128xf32, #tpu.memory_space<vmem>>, vector<256x128xf32>
        %shift_right_arithmetic3A_437 = arith.constant 2 : i32
        %shift_right_arithmetic3A_438 = arith.shrsi %shift_left3A_288, %shift_right_arithmetic3A_437 : i32
        %swap3A_439 = arith.index_cast %shift_right_arithmetic3A_438 : i32 to index
        %swap3A_440 = arith.constant 0 : index
        %swap3A_441 = vector.load %arg6[%swap3A_439, %swap3A_440] : memref<5000x128xf32, #tpu.memory_space<vmem>>, vector<256x128xf32>
        tpu.vector_store %arg6[%swap3A_439, %swap3A_440], %get3A_436 {strides = array<i32>} : memref<5000x128xf32, #tpu.memory_space<vmem>>, vector<256x128xf32>,
      } else {
      }
      %shift_right_arithmetic3A_298 = arith.constant 10 : i32
      %shift_right_arithmetic3A_299 = arith.shrsi %select_n3A_232, %shift_right_arithmetic3A_298 : i32
      %shift_left3A_300 = arith.constant 10 : i32
      %shift_left3A_301 = arith.shli %shift_right_arithmetic3A_299, %shift_left3A_300 : i32
      %shift_right_arithmetic3A_302 = arith.constant 9 : i32
      %shift_right_arithmetic3A_303 = arith.shrsi %select_n3A_232, %shift_right_arithmetic3A_302 : i32
      %and3A_304 = arith.constant 1 : i32
      %and3A_305 = arith.andi %shift_right_arithmetic3A_303, %and3A_304 : i32
      %eq3A_306 = arith.constant 1 : i32
      %eq3A_307 = arith.cmpi eq, %and3A_305, %eq3A_306 : i32
      %convert_element_type3A_308 = arith.extui %eq3A_307 : i1 to i32
      %cond3A_309 = arith.constant 0 : i32
      %cond3A_310 = arith.cmpi ne, %convert_element_type3A_308, %cond3A_309 : i32
      scf.if %cond3A_310 {
        %add3A_431 = arith.addi %get3A_2, %shift_left3A_301 : i32
        %shift_right_arithmetic3A_432 = arith.constant 2 : i32
        %shift_right_arithmetic3A_433 = arith.shrsi %add3A_431, %shift_right_arithmetic3A_432 : i32
        %get3A_434 = arith.index_cast %shift_right_arithmetic3A_433 : i32 to index
        %get3A_435 = arith.constant 0 : index
        %get3A_436 = vector.load %arg4[%get3A_434, %get3A_435] : memref<4096x128xf32, #tpu.memory_space<vmem>>, vector<128x128xf32>
        %shift_right_arithmetic3A_437 = arith.constant 2 : i32
        %shift_right_arithmetic3A_438 = arith.shrsi %shift_left3A_301, %shift_right_arithmetic3A_437 : i32
        %swap3A_439 = arith.index_cast %shift_right_arithmetic3A_438 : i32 to index
        %swap3A_440 = arith.constant 0 : index
        %swap3A_441 = vector.load %arg6[%swap3A_439, %swap3A_440] : memref<5000x128xf32, #tpu.memory_space<vmem>>, vector<128x128xf32>
        tpu.vector_store %arg6[%swap3A_439, %swap3A_440], %get3A_436 {strides = array<i32>} : memref<5000x128xf32, #tpu.memory_space<vmem>>, vector<128x128xf32>,
      } else {
      }
      %shift_right_arithmetic3A_311 = arith.constant 9 : i32
      %shift_right_arithmetic3A_312 = arith.shrsi %select_n3A_232, %shift_right_arithmetic3A_311 : i32
      %shift_left3A_313 = arith.constant 9 : i32
      %shift_left3A_314 = arith.shli %shift_right_arithmetic3A_312, %shift_left3A_313 : i32
      %shift_right_arithmetic3A_315 = arith.constant 8 : i32
      %shift_right_arithmetic3A_316 = arith.shrsi %select_n3A_232, %shift_right_arithmetic3A_315 : i32
      %and3A_317 = arith.constant 1 : i32
      %and3A_318 = arith.andi %shift_right_arithmetic3A_316, %and3A_317 : i32
      %eq3A_319 = arith.constant 1 : i32
      %eq3A_320 = arith.cmpi eq, %and3A_318, %eq3A_319 : i32
      %convert_element_type3A_321 = arith.extui %eq3A_320 : i1 to i32
      %cond3A_322 = arith.constant 0 : i32
      %cond3A_323 = arith.cmpi ne, %convert_element_type3A_321, %cond3A_322 : i32
      scf.if %cond3A_323 {
        %add3A_431 = arith.addi %get3A_2, %shift_left3A_314 : i32
        %shift_right_arithmetic3A_432 = arith.constant 2 : i32
        %shift_right_arithmetic3A_433 = arith.shrsi %add3A_431, %shift_right_arithmetic3A_432 : i32
        %get3A_434 = arith.index_cast %shift_right_arithmetic3A_433 : i32 to index
        %get3A_435 = arith.constant 0 : index
        %get3A_436 = vector.load %arg4[%get3A_434, %get3A_435] : memref<4096x128xf32, #tpu.memory_space<vmem>>, vector<64x128xf32>
        %shift_right_arithmetic3A_437 = arith.constant 2 : i32
        %shift_right_arithmetic3A_438 = arith.shrsi %shift_left3A_314, %shift_right_arithmetic3A_437 : i32
        %swap3A_439 = arith.index_cast %shift_right_arithmetic3A_438 : i32 to index
        %swap3A_440 = arith.constant 0 : index
        %swap3A_441 = vector.load %arg6[%swap3A_439, %swap3A_440] : memref<5000x128xf32, #tpu.memory_space<vmem>>, vector<64x128xf32>
        tpu.vector_store %arg6[%swap3A_439, %swap3A_440], %get3A_436 {strides = array<i32>} : memref<5000x128xf32, #tpu.memory_space<vmem>>, vector<64x128xf32>,
      } else {
      }
      %shift_right_arithmetic3A_324 = arith.constant 8 : i32
      %shift_right_arithmetic3A_325 = arith.shrsi %select_n3A_232, %shift_right_arithmetic3A_324 : i32
      %shift_left3A_326 = arith.constant 8 : i32
      %shift_left3A_327 = arith.shli %shift_right_arithmetic3A_325, %shift_left3A_326 : i32
      %shift_right_arithmetic3A_328 = arith.constant 7 : i32
      %shift_right_arithmetic3A_329 = arith.shrsi %select_n3A_232, %shift_right_arithmetic3A_328 : i32
      %and3A_330 = arith.constant 1 : i32
      %and3A_331 = arith.andi %shift_right_arithmetic3A_329, %and3A_330 : i32
      %eq3A_332 = arith.constant 1 : i32
      %eq3A_333 = arith.cmpi eq, %and3A_331, %eq3A_332 : i32
      %convert_element_type3A_334 = arith.extui %eq3A_333 : i1 to i32
      %cond3A_335 = arith.constant 0 : i32
      %cond3A_336 = arith.cmpi ne, %convert_element_type3A_334, %cond3A_335 : i32
      scf.if %cond3A_336 {
        %add3A_431 = arith.addi %get3A_2, %shift_left3A_327 : i32
        %shift_right_arithmetic3A_432 = arith.constant 2 : i32
        %shift_right_arithmetic3A_433 = arith.shrsi %add3A_431, %shift_right_arithmetic3A_432 : i32
        %get3A_434 = arith.index_cast %shift_right_arithmetic3A_433 : i32 to index
        %get3A_435 = arith.constant 0 : index
        %get3A_436 = vector.load %arg4[%get3A_434, %get3A_435] : memref<4096x128xf32, #tpu.memory_space<vmem>>, vector<32x128xf32>
        %shift_right_arithmetic3A_437 = arith.constant 2 : i32
        %shift_right_arithmetic3A_438 = arith.shrsi %shift_left3A_327, %shift_right_arithmetic3A_437 : i32
        %swap3A_439 = arith.index_cast %shift_right_arithmetic3A_438 : i32 to index
        %swap3A_440 = arith.constant 0 : index
        %swap3A_441 = vector.load %arg6[%swap3A_439, %swap3A_440] : memref<5000x128xf32, #tpu.memory_space<vmem>>, vector<32x128xf32>
        tpu.vector_store %arg6[%swap3A_439, %swap3A_440], %get3A_436 {strides = array<i32>} : memref<5000x128xf32, #tpu.memory_space<vmem>>, vector<32x128xf32>,
      } else {
      }
      %shift_right_arithmetic3A_337 = arith.constant 7 : i32
      %shift_right_arithmetic3A_338 = arith.shrsi %select_n3A_232, %shift_right_arithmetic3A_337 : i32
      %shift_left3A_339 = arith.constant 7 : i32
      %shift_left3A_340 = arith.shli %shift_right_arithmetic3A_338, %shift_left3A_339 : i32
      %shift_right_arithmetic3A_341 = arith.constant 6 : i32
      %shift_right_arithmetic3A_342 = arith.shrsi %select_n3A_232, %shift_right_arithmetic3A_341 : i32
      %and3A_343 = arith.constant 1 : i32
      %and3A_344 = arith.andi %shift_right_arithmetic3A_342, %and3A_343 : i32
      %eq3A_345 = arith.constant 1 : i32
      %eq3A_346 = arith.cmpi eq, %and3A_344, %eq3A_345 : i32
      %convert_element_type3A_347 = arith.extui %eq3A_346 : i1 to i32
      %cond3A_348 = arith.constant 0 : i32
      %cond3A_349 = arith.cmpi ne, %convert_element_type3A_347, %cond3A_348 : i32
      scf.if %cond3A_349 {
        %add3A_431 = arith.addi %get3A_2, %shift_left3A_340 : i32
        %shift_right_arithmetic3A_432 = arith.constant 2 : i32
        %shift_right_arithmetic3A_433 = arith.shrsi %add3A_431, %shift_right_arithmetic3A_432 : i32
        %get3A_434 = arith.index_cast %shift_right_arithmetic3A_433 : i32 to index
        %get3A_435 = arith.constant 0 : index
        %get3A_436 = vector.load %arg4[%get3A_434, %get3A_435] : memref<4096x128xf32, #tpu.memory_space<vmem>>, vector<16x128xf32>
        %shift_right_arithmetic3A_437 = arith.constant 2 : i32
        %shift_right_arithmetic3A_438 = arith.shrsi %shift_left3A_340, %shift_right_arithmetic3A_437 : i32
        %swap3A_439 = arith.index_cast %shift_right_arithmetic3A_438 : i32 to index
        %swap3A_440 = arith.constant 0 : index
        %swap3A_441 = vector.load %arg6[%swap3A_439, %swap3A_440] : memref<5000x128xf32, #tpu.memory_space<vmem>>, vector<16x128xf32>
        tpu.vector_store %arg6[%swap3A_439, %swap3A_440], %get3A_436 {strides = array<i32>} : memref<5000x128xf32, #tpu.memory_space<vmem>>, vector<16x128xf32>,
      } else {
      }
      %shift_right_arithmetic3A_350 = arith.constant 6 : i32
      %shift_right_arithmetic3A_351 = arith.shrsi %select_n3A_232, %shift_right_arithmetic3A_350 : i32
      %shift_left3A_352 = arith.constant 6 : i32
      %shift_left3A_353 = arith.shli %shift_right_arithmetic3A_351, %shift_left3A_352 : i32
      %shift_right_arithmetic3A_354 = arith.constant 5 : i32
      %shift_right_arithmetic3A_355 = arith.shrsi %select_n3A_232, %shift_right_arithmetic3A_354 : i32
      %and3A_356 = arith.constant 1 : i32
      %and3A_357 = arith.andi %shift_right_arithmetic3A_355, %and3A_356 : i32
      %eq3A_358 = arith.constant 1 : i32
      %eq3A_359 = arith.cmpi eq, %and3A_357, %eq3A_358 : i32
      %convert_element_type3A_360 = arith.extui %eq3A_359 : i1 to i32
      %cond3A_361 = arith.constant 0 : i32
      %cond3A_362 = arith.cmpi ne, %convert_element_type3A_360, %cond3A_361 : i32
      scf.if %cond3A_362 {
        %add3A_431 = arith.addi %get3A_2, %shift_left3A_353 : i32
        %shift_right_arithmetic3A_432 = arith.constant 2 : i32
        %shift_right_arithmetic3A_433 = arith.shrsi %add3A_431, %shift_right_arithmetic3A_432 : i32
        %get3A_434 = arith.index_cast %shift_right_arithmetic3A_433 : i32 to index
        %get3A_435 = arith.constant 0 : index
        %get3A_436 = vector.load %arg4[%get3A_434, %get3A_435] : memref<4096x128xf32, #tpu.memory_space<vmem>>, vector<8x128xf32>
        %shift_right_arithmetic3A_437 = arith.constant 2 : i32
        %shift_right_arithmetic3A_438 = arith.shrsi %shift_left3A_353, %shift_right_arithmetic3A_437 : i32
        %swap3A_439 = arith.index_cast %shift_right_arithmetic3A_438 : i32 to index
        %swap3A_440 = arith.constant 0 : index
        %swap3A_441 = vector.load %arg6[%swap3A_439, %swap3A_440] : memref<5000x128xf32, #tpu.memory_space<vmem>>, vector<8x128xf32>
        tpu.vector_store %arg6[%swap3A_439, %swap3A_440], %get3A_436 {strides = array<i32>} : memref<5000x128xf32, #tpu.memory_space<vmem>>, vector<8x128xf32>,
      } else {
      }
      %shift_right_arithmetic3A_363 = arith.constant 5 : i32
      %shift_right_arithmetic3A_364 = arith.shrsi %select_n3A_232, %shift_right_arithmetic3A_363 : i32
      %shift_left3A_365 = arith.constant 5 : i32
      %shift_left3A_366 = arith.shli %shift_right_arithmetic3A_364, %shift_left3A_365 : i32
      %shift_right_arithmetic3A_367 = arith.constant 4 : i32
      %shift_right_arithmetic3A_368 = arith.shrsi %select_n3A_232, %shift_right_arithmetic3A_367 : i32
      %and3A_369 = arith.constant 1 : i32
      %and3A_370 = arith.andi %shift_right_arithmetic3A_368, %and3A_369 : i32
      %eq3A_371 = arith.constant 1 : i32
      %eq3A_372 = arith.cmpi eq, %and3A_370, %eq3A_371 : i32
      %convert_element_type3A_373 = arith.extui %eq3A_372 : i1 to i32
      %cond3A_374 = arith.constant 0 : i32
      %cond3A_375 = arith.cmpi ne, %convert_element_type3A_373, %cond3A_374 : i32
      scf.if %cond3A_375 {
        %add3A_431 = arith.addi %get3A_2, %shift_left3A_366 : i32
        %shift_right_arithmetic3A_432 = arith.constant 2 : i32
        %shift_right_arithmetic3A_433 = arith.shrsi %add3A_431, %shift_right_arithmetic3A_432 : i32
        %get3A_434 = arith.index_cast %shift_right_arithmetic3A_433 : i32 to index
        %get3A_435 = arith.constant 0 : index
        %get3A_436 = vector.load %arg4[%get3A_434, %get3A_435] : memref<4096x128xf32, #tpu.memory_space<vmem>>, vector<4x128xf32>
        %shift_right_arithmetic3A_437 = arith.constant 2 : i32
        %shift_right_arithmetic3A_438 = arith.shrsi %shift_left3A_366, %shift_right_arithmetic3A_437 : i32
        %swap3A_439 = arith.index_cast %shift_right_arithmetic3A_438 : i32 to index
        %swap3A_440 = arith.constant 0 : index
        %swap3A_441 = vector.load %arg6[%swap3A_439, %swap3A_440] : memref<5000x128xf32, #tpu.memory_space<vmem>>, vector<4x128xf32>
        tpu.vector_store %arg6[%swap3A_439, %swap3A_440], %get3A_436 {strides = array<i32>} : memref<5000x128xf32, #tpu.memory_space<vmem>>, vector<4x128xf32>,
      } else {
      }
      %shift_right_arithmetic3A_376 = arith.constant 4 : i32
      %shift_right_arithmetic3A_377 = arith.shrsi %select_n3A_232, %shift_right_arithmetic3A_376 : i32
      %shift_left3A_378 = arith.constant 4 : i32
      %shift_left3A_379 = arith.shli %shift_right_arithmetic3A_377, %shift_left3A_378 : i32
      %shift_right_arithmetic3A_380 = arith.constant 3 : i32
      %shift_right_arithmetic3A_381 = arith.shrsi %select_n3A_232, %shift_right_arithmetic3A_380 : i32
      %and3A_382 = arith.constant 1 : i32
      %and3A_383 = arith.andi %shift_right_arithmetic3A_381, %and3A_382 : i32
      %eq3A_384 = arith.constant 1 : i32
      %eq3A_385 = arith.cmpi eq, %and3A_383, %eq3A_384 : i32
      %convert_element_type3A_386 = arith.extui %eq3A_385 : i1 to i32
      %cond3A_387 = arith.constant 0 : i32
      %cond3A_388 = arith.cmpi ne, %convert_element_type3A_386, %cond3A_387 : i32
      scf.if %cond3A_388 {
        %add3A_431 = arith.addi %get3A_2, %shift_left3A_379 : i32
        %shift_right_arithmetic3A_432 = arith.constant 2 : i32
        %shift_right_arithmetic3A_433 = arith.shrsi %add3A_431, %shift_right_arithmetic3A_432 : i32
        %get3A_434 = arith.index_cast %shift_right_arithmetic3A_433 : i32 to index
        %get3A_435 = arith.constant 0 : index
        %get3A_436 = vector.load %arg4[%get3A_434, %get3A_435] : memref<4096x128xf32, #tpu.memory_space<vmem>>, vector<2x128xf32>
        %shift_right_arithmetic3A_437 = arith.constant 2 : i32
        %shift_right_arithmetic3A_438 = arith.shrsi %shift_left3A_379, %shift_right_arithmetic3A_437 : i32
        %swap3A_439 = arith.index_cast %shift_right_arithmetic3A_438 : i32 to index
        %swap3A_440 = arith.constant 0 : index
        %swap3A_441 = vector.load %arg6[%swap3A_439, %swap3A_440] : memref<5000x128xf32, #tpu.memory_space<vmem>>, vector<2x128xf32>
        tpu.vector_store %arg6[%swap3A_439, %swap3A_440], %get3A_436 {strides = array<i32>} : memref<5000x128xf32, #tpu.memory_space<vmem>>, vector<2x128xf32>,
      } else {
      }
      %shift_right_arithmetic3A_389 = arith.constant 3 : i32
      %shift_right_arithmetic3A_390 = arith.shrsi %select_n3A_232, %shift_right_arithmetic3A_389 : i32
      %shift_left3A_391 = arith.constant 3 : i32
      %shift_left3A_392 = arith.shli %shift_right_arithmetic3A_390, %shift_left3A_391 : i32
      %shift_right_arithmetic3A_393 = arith.constant 2 : i32
      %shift_right_arithmetic3A_394 = arith.shrsi %select_n3A_232, %shift_right_arithmetic3A_393 : i32
      %and3A_395 = arith.constant 1 : i32
      %and3A_396 = arith.andi %shift_right_arithmetic3A_394, %and3A_395 : i32
      %eq3A_397 = arith.constant 1 : i32
      %eq3A_398 = arith.cmpi eq, %and3A_396, %eq3A_397 : i32
      %convert_element_type3A_399 = arith.extui %eq3A_398 : i1 to i32
      %cond3A_400 = arith.constant 0 : i32
      %cond3A_401 = arith.cmpi ne, %convert_element_type3A_399, %cond3A_400 : i32
      scf.if %cond3A_401 {
        %add3A_431 = arith.addi %get3A_2, %shift_left3A_392 : i32
        %shift_right_arithmetic3A_432 = arith.constant 2 : i32
        %shift_right_arithmetic3A_433 = arith.shrsi %add3A_431, %shift_right_arithmetic3A_432 : i32
        %get3A_434 = arith.index_cast %shift_right_arithmetic3A_433 : i32 to index
        %get3A_435 = arith.constant 0 : index
        %get3A_436 = vector.load %arg4[%get3A_434, %get3A_435] : memref<4096x128xf32, #tpu.memory_space<vmem>>, vector<1x128xf32>
        %shift_right_arithmetic3A_437 = arith.constant 2 : i32
        %shift_right_arithmetic3A_438 = arith.shrsi %shift_left3A_392, %shift_right_arithmetic3A_437 : i32
        %swap3A_439 = arith.index_cast %shift_right_arithmetic3A_438 : i32 to index
        %swap3A_440 = arith.constant 0 : index
        %swap3A_441 = vector.load %arg6[%swap3A_439, %swap3A_440] : memref<5000x128xf32, #tpu.memory_space<vmem>>, vector<1x128xf32>
        tpu.vector_store %arg6[%swap3A_439, %swap3A_440], %get3A_436 {strides = array<i32>} : memref<5000x128xf32, #tpu.memory_space<vmem>>, vector<1x128xf32>,
      } else {
      }
      %add3A_402 = arith.addi %get3A_2, %select_n3A_232 : i32
      %swap3A_403 = arith.constant 1 : index
      %swap3A_404 = memref.load %arg8[%swap3A_403] : memref<4xi32, #tpu.memory_space<smem>>
      memref.store %add3A_402, %arg8[%swap3A_403] : memref<4xi32, #tpu.memory_space<smem>>
      %jit3A_405 = arith.constant 2000 : i32
      %div3A = arith.divsi %select_n3A_232, %jit3A_405 : i32
      %sign3A = arith.constant 0 : i32
      %sign3A_406 = arith.cmpi sgt, %select_n3A_232, %sign3A : i32
      %sign3A_407 = arith.extui %sign3A_406 : i1 to i32
      %sign3A_408 = arith.constant 0 : i32
      %sign3A_409 = arith.cmpi slt, %select_n3A_232, %sign3A_408 : i32
      %sign3A_410 = arith.extui %sign3A_409 : i1 to i32
      %sign3A_411 = arith.subi %sign3A_407, %sign3A_410 : i32
      %sign3A_412 = arith.constant 0 : i32
      %sign3A_413 = arith.cmpi sgt, %jit3A_405, %sign3A_412 : i32
      %sign3A_414 = arith.extui %sign3A_413 : i1 to i32
      %sign3A_415 = arith.constant 0 : i32
      %sign3A_416 = arith.cmpi slt, %jit3A_405, %sign3A_415 : i32
      %sign3A_417 = arith.extui %sign3A_416 : i1 to i32
      %sign3A_418 = arith.subi %sign3A_414, %sign3A_417 : i32
      %ne3A_419 = arith.cmpi ne, %sign3A_411, %sign3A_418 : i32
      %rem3A_420 = arith.remsi %select_n3A_232, %jit3A_405 : i32
      %ne3A_421 = arith.constant 0 : i32
      %ne3A_422 = arith.cmpi ne, %rem3A_420, %ne3A_421 : i32
      %and3A_423 = arith.andi %ne3A_419, %ne3A_422 : i1
      %sub3A_424 = arith.constant 1 : i32
      %sub3A_425 = arith.subi %div3A, %sub3A_424 : i32
      %select_n3A_426 = arith.select %and3A_423, %sub3A_425, %div3A : i32
      %scan3A = arith.constant 0 : i32
      %scan3A_427 = arith.constant 10 : i32
      %scan3A_428 = arith.addi %scan3A, %scan3A_427 : i32
      %scan3A_429 = arith.constant 1 : i32
      scf.for %scan3A_431 = %scan3A to %scan3A_428 step %scan3A_429  : i32 {
        %ge3A_432 = arith.cmpi sge, %scan3A_431, %select_n3A_426 : i32
        %get3A_433 = arith.constant 1 : index
        %get3A_434 = memref.load %arg8[%get3A_433] : memref<4xi32, #tpu.memory_space<smem>>
        %lt3A_435 = arith.constant 16384 : i32
        %lt3A_436 = arith.cmpi slt, %get3A_434, %lt3A_435 : i32
        %and3A_437 = arith.andi %ge3A_432, %lt3A_436 : i1
        %convert_element_type3A_438 = arith.extui %and3A_437 : i1 to i32
        %cond3A_439 = arith.constant 0 : i32
        %cond3A_440 = arith.cmpi ne, %convert_element_type3A_438, %cond3A_439 : i32
        scf.if %cond3A_440 {
          %mul3A = arith.constant 20000 : i32
          %mul3A_441 = arith.muli %arg0, %mul3A : i32
          %mul3A_442 = arith.constant 2000 : i32
          %mul3A_443 = arith.muli %scan3A_431, %mul3A_442 : i32
          %add3A_444 = arith.addi %mul3A_441, %mul3A_443 : i32
          %jit3A_445 = arith.constant 128 : i32
          %div3A_446 = arith.divsi %add3A_444, %jit3A_445 : i32
          %sign3A_447 = arith.constant 0 : i32
          %sign3A_448 = arith.cmpi sgt, %add3A_444, %sign3A_447 : i32
          %sign3A_449 = arith.extui %sign3A_448 : i1 to i32
          %sign3A_450 = arith.constant 0 : i32
          %sign3A_451 = arith.cmpi slt, %add3A_444, %sign3A_450 : i32
          %sign3A_452 = arith.extui %sign3A_451 : i1 to i32
          %sign3A_453 = arith.subi %sign3A_449, %sign3A_452 : i32
          %sign3A_454 = arith.constant 0 : i32
          %sign3A_455 = arith.cmpi sgt, %jit3A_445, %sign3A_454 : i32
          %sign3A_456 = arith.extui %sign3A_455 : i1 to i32
          %sign3A_457 = arith.constant 0 : i32
          %sign3A_458 = arith.cmpi slt, %jit3A_445, %sign3A_457 : i32
          %sign3A_459 = arith.extui %sign3A_458 : i1 to i32
          %sign3A_460 = arith.subi %sign3A_456, %sign3A_459 : i32
          %ne3A_461 = arith.cmpi ne, %sign3A_453, %sign3A_460 : i32
          %rem3A_462 = arith.remsi %add3A_444, %jit3A_445 : i32
          %ne3A_463 = arith.constant 0 : i32
          %ne3A_464 = arith.cmpi ne, %rem3A_462, %ne3A_463 : i32
          %and3A_465 = arith.andi %ne3A_461, %ne3A_464 : i1
          %sub3A_466 = arith.constant 1 : i32
          %sub3A_467 = arith.subi %div3A_446, %sub3A_466 : i32
          %select_n3A_468 = arith.select %and3A_465, %sub3A_467, %div3A_446 : i32
          %mul3A_469 = arith.constant 128 : i32
          %mul3A_470 = arith.muli %select_n3A_468, %mul3A_469 : i32
          %min3A_471 = arith.constant 997888 : i32
          %min3A_472 = arith.minsi %mul3A_470, %min3A_471 : i32
          %multiple_of3A = tpu.assume_multiple %min3A_472, 128 : i32
          %sub3A_473 = arith.subi %add3A_444, %multiple_of3A : i32
          %dma_start3A = tpu.memref_slice %arg3[%multiple_of3A] : memref<1000064xi32, #tpu.memory_space<any>> -> memref<2176xi32, #tpu.memory_space<any>>
          tpu.enqueue_dma source(%dma_start3A : memref<2176xi32, #tpu.memory_space<any>>) target(%arg9 : memref<2176xi32, #tpu.memory_space<smem>>) target_semaphore(%arg10 : memref<!tpu.dma_semaphore, #tpu.memory_space<semaphore_mem>>)
          %dma_wait3A = tpu.memref_slice %arg3[%multiple_of3A] : memref<1000064xi32, #tpu.memory_space<any>> -> memref<2176xi32, #tpu.memory_space<any>>
          tpu.wait_dma2 semaphore(%arg10 : memref<!tpu.dma_semaphore, #tpu.memory_space<semaphore_mem>>) src(%dma_wait3A : memref<2176xi32, #tpu.memory_space<any>>) dst(%arg9 : memref<2176xi32, #tpu.memory_space<smem>>)
          %scan3A_474 = arith.constant 0 : i32
          %scan3A_475 = arith.constant 2000 : i32
          %scan3A_476 = arith.addi %scan3A_474, %scan3A_475 : i32
          %scan3A_477 = arith.constant 1 : i32
          scf.for %scan3A_479 = %scan3A_474 to %scan3A_476 step %scan3A_477  : i32 {
            %mul3A_480 = arith.constant 2000 : i32
            %mul3A_481 = arith.muli %scan3A_431, %mul3A_480 : i32
            %add3A_482 = arith.addi %mul3A_481, %scan3A_479 : i32
            %add3A_483 = arith.addi %sub3A_473, %scan3A_479 : i32
            %get3A_484 = arith.index_cast %add3A_483 : i32 to index
            %get3A_485 = memref.load %arg9[%get3A_484] : memref<2176xi32, #tpu.memory_space<smem>>
            %eq3A_486 = arith.constant 0 : i32
            %eq3A_487 = arith.cmpi eq, %get3A_485, %eq3A_486 : i32
            %ge3A_488 = arith.cmpi sge, %add3A_482, %select_n3A_232 : i32
            %and3A_489 = arith.andi %eq3A_487, %ge3A_488 : i1
            %get3A_490 = arith.constant 1 : index
            %get3A_491 = memref.load %arg8[%get3A_490] : memref<4xi32, #tpu.memory_space<smem>>
            %lt3A_492 = arith.constant 16384 : i32
            %lt3A_493 = arith.cmpi slt, %get3A_491, %lt3A_492 : i32
            %and3A_494 = arith.andi %and3A_489, %lt3A_493 : i1
            %convert_element_type3A_495 = arith.extui %and3A_494 : i1 to i32
            %cond3A_496 = arith.constant 0 : i32
            %cond3A_497 = arith.cmpi ne, %convert_element_type3A_495, %cond3A_496 : i32
            scf.if %cond3A_497 {
              %get3A_501 = arith.index_cast %get3A_491 : i32 to index
              %get3A_502 = arith.constant 0 : index
              %get3A_503 = vector.load %arg5[%get3A_501, %get3A_502] : memref<16384x32xf32, #tpu.memory_space<vmem>>, vector<1x32xf32>
              %jit3A_504 = arith.constant 4 : i32
              %div3A_505 = arith.divsi %add3A_482, %jit3A_504 : i32
              %sign3A_506 = arith.constant 0 : i32
              %sign3A_507 = arith.cmpi sgt, %add3A_482, %sign3A_506 : i32
              %sign3A_508 = arith.extui %sign3A_507 : i1 to i32
              %sign3A_509 = arith.constant 0 : i32
              %sign3A_510 = arith.cmpi slt, %add3A_482, %sign3A_509 : i32
              %sign3A_511 = arith.extui %sign3A_510 : i1 to i32
              %sign3A_512 = arith.subi %sign3A_508, %sign3A_511 : i32
              %sign3A_513 = arith.constant 0 : i32
              %sign3A_514 = arith.cmpi sgt, %jit3A_504, %sign3A_513 : i32
              %sign3A_515 = arith.extui %sign3A_514 : i1 to i32
              %sign3A_516 = arith.constant 0 : i32
              %sign3A_517 = arith.cmpi slt, %jit3A_504, %sign3A_516 : i32
              %sign3A_518 = arith.extui %sign3A_517 : i1 to i32
              %sign3A_519 = arith.subi %sign3A_515, %sign3A_518 : i32
              %ne3A_520 = arith.cmpi ne, %sign3A_512, %sign3A_519 : i32
              %rem3A_521 = arith.remsi %add3A_482, %jit3A_504 : i32
              %ne3A_522 = arith.constant 0 : i32
              %ne3A_523 = arith.cmpi ne, %rem3A_521, %ne3A_522 : i32
              %and3A_524 = arith.andi %ne3A_520, %ne3A_523 : i1
              %sub3A_525 = arith.constant 1 : i32
              %sub3A_526 = arith.subi %div3A_505, %sub3A_525 : i32
              %select_n3A_527 = arith.select %and3A_524, %sub3A_526, %div3A_505 : i32
              %jit3A_528 = arith.constant 4 : i32
              %eq3A_529 = arith.constant 0 : i32
              %eq3A_530 = arith.cmpi eq, %jit3A_528, %eq3A_529 : i32
              %jit3A_531 = arith.constant 1 : i32
              %select_n3A_532 = arith.select %eq3A_530, %jit3A_531, %jit3A_528 : i32
              %rem3A_533 = arith.remsi %add3A_482, %select_n3A_532 : i32
              %ne3A_534 = arith.constant 0 : i32
              %ne3A_535 = arith.cmpi ne, %rem3A_533, %ne3A_534 : i32
              %lt3A_536 = arith.constant 0 : i32
              %lt3A_537 = arith.cmpi slt, %rem3A_533, %lt3A_536 : i32
              %lt3A_538 = arith.constant 0 : i32
              %lt3A_539 = arith.cmpi slt, %select_n3A_532, %lt3A_538 : i32
              %ne3A_540 = arith.xori %lt3A_537, %lt3A_539 : i1
              %and3A_541 = arith.andi %ne3A_540, %ne3A_535 : i1
              %add3A_542 = arith.addi %rem3A_533, %select_n3A_532 : i32
              %select_n3A_543 = arith.select %and3A_541, %add3A_542, %rem3A_533 : i32
              %eq3A_544 = arith.constant 0 : i32
              %eq3A_545 = arith.cmpi eq, %select_n3A_543, %eq3A_544 : i32
              %convert_element_type3A_546 = arith.extui %eq3A_545 : i1 to i32
              %cond3A_547 = arith.constant 0 : i32
              %cond3A_548 = arith.cmpi ne, %convert_element_type3A_546, %cond3A_547 : i32
              scf.if %cond3A_548 {
                %swap3A_612 = arith.index_cast %select_n3A_527 : i32 to index
                %swap3A_613 = arith.constant 0 : index
                %swap3A_614 = vector.load %arg6[%swap3A_612, %swap3A_613] : memref<5000x128xf32, #tpu.memory_space<vmem>>, vector<1x32xf32>
                tpu.vector_store %arg6[%swap3A_612, %swap3A_613], %get3A_503 {strides = array<i32>} : memref<5000x128xf32, #tpu.memory_space<vmem>>, vector<1x32xf32>,
              } else {
              }
              %jit3A_549 = arith.constant 4 : i32
              %eq3A_550 = arith.constant 0 : i32
              %eq3A_551 = arith.cmpi eq, %jit3A_549, %eq3A_550 : i32
              %jit3A_552 = arith.constant 1 : i32
              %select_n3A_553 = arith.select %eq3A_551, %jit3A_552, %jit3A_549 : i32
              %rem3A_554 = arith.remsi %add3A_482, %select_n3A_553 : i32
              %ne3A_555 = arith.constant 0 : i32
              %ne3A_556 = arith.cmpi ne, %rem3A_554, %ne3A_555 : i32
              %lt3A_557 = arith.constant 0 : i32
              %lt3A_558 = arith.cmpi slt, %rem3A_554, %lt3A_557 : i32
              %lt3A_559 = arith.constant 0 : i32
              %lt3A_560 = arith.cmpi slt, %select_n3A_553, %lt3A_559 : i32
              %ne3A_561 = arith.xori %lt3A_558, %lt3A_560 : i1
              %and3A_562 = arith.andi %ne3A_561, %ne3A_556 : i1
              %add3A_563 = arith.addi %rem3A_554, %select_n3A_553 : i32
              %select_n3A_564 = arith.select %and3A_562, %add3A_563, %rem3A_554 : i32
              %eq3A_565 = arith.constant 1 : i32
              %eq3A_566 = arith.cmpi eq, %select_n3A_564, %eq3A_565 : i32
              %convert_element_type3A_567 = arith.extui %eq3A_566 : i1 to i32
              %cond3A_568 = arith.constant 0 : i32
              %cond3A_569 = arith.cmpi ne, %convert_element_type3A_567, %cond3A_568 : i32
              scf.if %cond3A_569 {
                %swap3A_612 = arith.index_cast %select_n3A_527 : i32 to index
                %swap3A_613 = arith.constant 32 : index
                %swap3A_614 = vector.load %arg6[%swap3A_612, %swap3A_613] : memref<5000x128xf32, #tpu.memory_space<vmem>>, vector<1x32xf32>
                tpu.vector_store %arg6[%swap3A_612, %swap3A_613], %get3A_503 {strides = array<i32>} : memref<5000x128xf32, #tpu.memory_space<vmem>>, vector<1x32xf32>,
              } else {
              }
              %jit3A_570 = arith.constant 4 : i32
              %eq3A_571 = arith.constant 0 : i32
              %eq3A_572 = arith.cmpi eq, %jit3A_570, %eq3A_571 : i32
              %jit3A_573 = arith.constant 1 : i32
              %select_n3A_574 = arith.select %eq3A_572, %jit3A_573, %jit3A_570 : i32
              %rem3A_575 = arith.remsi %add3A_482, %select_n3A_574 : i32
              %ne3A_576 = arith.constant 0 : i32
              %ne3A_577 = arith.cmpi ne, %rem3A_575, %ne3A_576 : i32
              %lt3A_578 = arith.constant 0 : i32
              %lt3A_579 = arith.cmpi slt, %rem3A_575, %lt3A_578 : i32
              %lt3A_580 = arith.constant 0 : i32
              %lt3A_581 = arith.cmpi slt, %select_n3A_574, %lt3A_580 : i32
              %ne3A_582 = arith.xori %lt3A_579, %lt3A_581 : i1
              %and3A_583 = arith.andi %ne3A_582, %ne3A_577 : i1
              %add3A_584 = arith.addi %rem3A_575, %select_n3A_574 : i32
              %select_n3A_585 = arith.select %and3A_583, %add3A_584, %rem3A_575 : i32
              %eq3A_586 = arith.constant 2 : i32
              %eq3A_587 = arith.cmpi eq, %select_n3A_585, %eq3A_586 : i32
              %convert_element_type3A_588 = arith.extui %eq3A_587 : i1 to i32
              %cond3A_589 = arith.constant 0 : i32
              %cond3A_590 = arith.cmpi ne, %convert_element_type3A_588, %cond3A_589 : i32
              scf.if %cond3A_590 {
                %swap3A_612 = arith.index_cast %select_n3A_527 : i32 to index
                %swap3A_613 = arith.constant 64 : index
                %swap3A_614 = vector.load %arg6[%swap3A_612, %swap3A_613] : memref<5000x128xf32, #tpu.memory_space<vmem>>, vector<1x32xf32>
                tpu.vector_store %arg6[%swap3A_612, %swap3A_613], %get3A_503 {strides = array<i32>} : memref<5000x128xf32, #tpu.memory_space<vmem>>, vector<1x32xf32>,
              } else {
              }
              %jit3A_591 = arith.constant 4 : i32
              %eq3A_592 = arith.constant 0 : i32
              %eq3A_593 = arith.cmpi eq, %jit3A_591, %eq3A_592 : i32
              %jit3A_594 = arith.constant 1 : i32
              %select_n3A_595 = arith.select %eq3A_593, %jit3A_594, %jit3A_591 : i32
              %rem3A_596 = arith.remsi %add3A_482, %select_n3A_595 : i32
              %ne3A_597 = arith.constant 0 : i32
              %ne3A_598 = arith.cmpi ne, %rem3A_596, %ne3A_597 : i32
              %lt3A_599 = arith.constant 0 : i32
              %lt3A_600 = arith.cmpi slt, %rem3A_596, %lt3A_599 : i32
              %lt3A_601 = arith.constant 0 : i32
              %lt3A_602 = arith.cmpi slt, %select_n3A_595, %lt3A_601 : i32
              %ne3A_603 = arith.xori %lt3A_600, %lt3A_602 : i1
              %and3A_604 = arith.andi %ne3A_603, %ne3A_598 : i1
              %add3A_605 = arith.addi %rem3A_596, %select_n3A_595 : i32
              %select_n3A_606 = arith.select %and3A_604, %add3A_605, %rem3A_596 : i32
              %eq3A_607 = arith.constant 3 : i32
              %eq3A_608 = arith.cmpi eq, %select_n3A_606, %eq3A_607 : i32
              %convert_element_type3A_609 = arith.extui %eq3A_608 : i1 to i32
              %cond3A_610 = arith.constant 0 : i32
              %cond3A_611 = arith.cmpi ne, %convert_element_type3A_609, %cond3A_610 : i32
              scf.if %cond3A_611 {
                %swap3A_612 = arith.index_cast %select_n3A_527 : i32 to index
                %swap3A_613 = arith.constant 96 : index
                %swap3A_614 = vector.load %arg6[%swap3A_612, %swap3A_613] : memref<5000x128xf32, #tpu.memory_space<vmem>>, vector<1x32xf32>
                tpu.vector_store %arg6[%swap3A_612, %swap3A_613], %get3A_503 {strides = array<i32>} : memref<5000x128xf32, #tpu.memory_space<vmem>>, vector<1x32xf32>,
              } else {
              }
            } else {
            }
            %convert_element_type3A_498 = arith.extui %and3A_489 : i1 to i32
            %cond3A_499 = arith.constant 0 : i32
            %cond3A_500 = arith.cmpi ne, %convert_element_type3A_498, %cond3A_499 : i32
            scf.if %cond3A_500 {
              %add3A_501 = arith.constant 1 : i32
              %add3A_502 = arith.addi %get3A_491, %add3A_501 : i32
              %swap3A_503 = arith.constant 1 : index
              %swap3A_504 = memref.load %arg8[%swap3A_503] : memref<4xi32, #tpu.memory_space<smem>>
              memref.store %add3A_502, %arg8[%swap3A_503] : memref<4xi32, #tpu.memory_space<smem>>
            } else {
            }
          }
          %scan3A_478 = arith.constant 2000 : i32
        } else {
        }
      }
      %scan3A_430 = arith.constant 10 : i32
    } else {
    }
    %add3A_49 = arith.addi %get3A_2, %reduce_sum3A_15 : i32
    %swap3A = arith.constant 0 : index
    %swap3A_50 = memref.load %arg8[%swap3A] : memref<4xi32, #tpu.memory_space<smem>>
    memref.store %add3A_49, %arg8[%swap3A] : memref<4xi32, #tpu.memory_space<smem>>
    return
  }
  func.func @transform_0(%arg0: i32) -> (i32, i32) {
    %c0_i32 = arith.constant 0 : i32
    %c0_i32_0 = arith.constant 0 : i32
    return %arg0, %c0_i32 : i32, i32
  }
  func.func @transform_1(%arg0: i32) -> (i32, i32, i32) {
    %c0_i32 = arith.constant 0 : i32
    %c0_i32_0 = arith.constant 0 : i32
    %c0_i32_1 = arith.constant 0 : i32
    return %arg0, %c0_i32, %c0_i32_0 : i32, i32, i32
  }
  func.func @transform_3(%arg0: i32) -> (i32, i32) {
    %c0_i32 = arith.constant 0 : i32
    %c0_i32_0 = arith.constant 0 : i32
    %c0_i32_1 = arith.constant 0 : i32
    return %c0_i32, %c0_i32_0 : i32, i32
  }
  func.func @transform_4(%arg0: i32) -> (i32, i32) {
    %c0_i32 = arith.constant 0 : i32
    %c0_i32_0 = arith.constant 0 : i32
    %c0_i32_1 = arith.constant 0 : i32
    return %c0_i32, %c0_i32_0 : i32, i32
  }
  func.func @transform_5(%arg0: i32) -> (i32, i32) {
    %c0_i32 = arith.constant 0 : i32
    %c0_i32_0 = arith.constant 0 : i32
    return %arg0, %c0_i32 : i32, i32
  }
  func.func @transform_6(%arg0: i32) -> (i32, i32, i32) {
    %c0_i32 = arith.constant 0 : i32
    %c0_i32_0 = arith.constant 0 : i32
    %c0_i32_1 = arith.constant 0 : i32
    return %arg0, %c0_i32, %c0_i32_0 : i32, i32, i32
  }
}

</mosaic_0001>

<sc_bundles>
// kernel: sparse-core-data-format-call.cloned.1.call-start
scs
called_computation_lowered:
.L_overlay_start_0:
0x0: {  	s2 =	sld [smem:$0x3FD9]  }
0x1: {  	s3 =	sld [smem:$0x3FFE];
	_ =	sdelay $0x1  }
0x2: {  	s1 =	srdreg.scid  }
0x3: {  	s0 =	sand.u32 $0x1, s1  }
0x4: {  	s15 =	sshll.u32 s0, $0xA;
	s2 =	sadd.s32 s3, s2  }
0x5: {  	s2 =	sadd.s32 s2, s15  }
0x6: {  	[smem:$0x3FC5] =	sst s2  }
0x7: {  	_ = 	snop  }
0x8: {  	s2 =	sld [smem:$0x3FD0];
	_ =	sdelay $0x2  }
0x9: {  	s16 =	simm.s32 $0xA;
	s4 =	simm.s32 $0x10  }
0xa: {  	[smem:s4], [sflag:s16] =	dma.local [hbm:s2], $0x1  }
0xb: {  	_ =	swait.eq [sflag:s16], $0x1  }
0xc: {  	[sflag:s16] =	ssyncset.done $0x0  }
0xd: {  	[sflag:s16] =	ssyncadd.s32 $0xFFFFFFFF  }
0xe: {  	s17 =	sld [smem:$0x10];
	(tm) =	ssettm $0x1  }
0xf: {  	s18 =	sld [smem:$0x3FFB];
	_ =	sdelay $0x3  }
0x10: {  	_ =	strace s18  }
0x11: {  	s3 =	sld [smem:$0x3FFC];
	_ =	sdelay $0x3  }
0x12: {  	_ =	strace s3  }
0x13: {  	s3 =	sld [smem:$0x3FFD];
	_ =	sdelay $0x3  }
0x14: {  	_ =	strace s3  }
0x15: {  	_ =	strace $0x8FFFFFFF  }
0x16: {  	s19 =	sld [smem:$0x3FDB];
	_ =	sdelay $0x1  }
0x17: {  	s20 =	simm.s32 $_scs_section_size  }
0x18: {  	s5 =	simm.s32 $_size__tile_overlayer_lowered;
	s6 =	simm.s32 $_tile_overlayer_lowered  }
0x19: {  	s23 =	simm.s32 $0x1BFF;
	s22 =	sshll.u32 s6, $0x1;
	s3 =	sadd.s32 s20, s19  }
0x1a: {  	s7 =	simm.s32 $0x0;
	s21 =	sshll.u32 s5, $0x1;
	s5 =	sadd.s32 s22, s3  }
0x1b: {  	[timem:s7], [sflag:s23] =	dma.local [hbm:s5], s21  }
0x1c: {  	_ =	swait.ge [sflag:s23], s21  }
0x1d: {  	s4 =	ssub.s32 $0x0, s21;
	[sflag:s23] =	ssyncset.done $0x0  }
0x1e: {  	[sflag:s23] =	ssyncadd.s32 s4;
	_ =	sdelay $0x1  }
0x1f: {  	s24 =	simm.s32 $0x1B8B  }
0x20: {  	_ =	swait.ge [sflag:s24], $0x1  }
0x21: {  	[sflag:s24] =	ssyncset.done $0x0  }
0x22: {  	s26 =	simm.s32 $0x1B8E;
	s25 =	sld [smem:$0x3FFE];
	[sflag:s24] =	ssyncadd.s32 $0xFFFFFFFF  }
0x23: {  	s27 =	simm.s32 $execute0_lowered;
	[smem:$0x3FD2] =	sst s26  }
0x24: {  	s5 =	sshll.u32 s27, $0x1;
	_ =	strace $0x80000046;
	[dreg:$0x1] =	wrdreg $0xFFFFFFFF  }
0x25: {  	s28 =	simm.s32 $_size_execute0_lowered;
	s3 =	sadd.s32 s3, s5;
	[dreg:$0x0] =	wrdreg $0x0  }
0x26: {  	s5 =	sshll.u32 s28, $0x1;
	[dreg:$0x2] =	wrdreg s3  }
0x27: {  	[dreg:$0x3] =	wrdreg s5  }
0x28: {  	[dreg:$0x4] =	wrdreg $0xC0  }
0x29: {  	_ =	task [dreg:s7], $0x5FFFF  }
0x2a: {  	[dreg:$0x1] =	wrdreg $0xFFFFFFFF  }
0x2b: {  	[dreg:$0x0] =	wrdreg $0x60  }
0x2c: {  	[dreg:$0x2] =	wrdreg s25  }
0x2d: {  	[dreg:$0x3] =	wrdreg s17  }
0x2e: {  	[dreg:$0x4] =	wrdreg $0x9  }
0x2f: {  	_ =	task.clear_ibuf [dreg:s7], $0x5FFFF;
	_ =	strace $0x90000046  }
0x30: {  	s29 =	simm.s32 $0x9;
	_ =	strace $0x80000048  }
0x31: {  	_ =	swait.ge [sflag:s29], $0x1  }
0x32: {  	[sflag:s29] =	ssyncadd.s32 $0xFFFFFFFF  }
0x33: {  	_ =	strace $0x90000048  }
0x34: {  	_ =	sfence  }
0x35: {  	s30 =	sld [smem:$0x0];
	_ =	sdelay $0x2  }
0x36: {  	s31 =	sshll.u32 s1, $0xD;
	s1 =	sshrl.u32 s1, $0x2  }
0x37: {  	s3 =	sand.u32 $0x4000, s31;
	s1 =	sadd.s32 s1, s30  }
0x38: {  	s0 =	sor.u32 s3, s0;
	s1 =	sshll.u32 s1, $0x11  }
0x39: {  	s0 =	sor.u32 s1, s0  }
0x3a: {  	s0 =	sadd.s32 $0x8F2B, s0  }
0x3b: {  	[sflag:s0] =	ssyncadd.remote.s32 $0x1  }
0x3c: {  	_ =	sfence.sel $0xFFFF  }
0x3d: {  	[dreg:$0x0] =	wrdreg $0xFFFFFFFF;
	(pc) =	sbr.abs _section_cstart, $3  }
0x3e: {  	[dreg:$0x1] =	wrdreg $0xFFFFFFFF  }
0x3f: {  	_ =	task.clear_ibuf [dreg:s7], $0x2FFFF;
	_ =	strace $0x9FFFFFFF  }
0x40: {  	(tm) =	ssettm $0x7FFFFFFF  }
0x41: {  	_ =	shalt  }
tec
execute0_lowered:
.L_overlay_start_1:
0x0: {  	(tag) =	ssettag $0x1  }
0x1: {  	s4 =	rddreg [dreg:$0x0]  }
0x2: {  	s0 =	srdreg.scid;
	s2 =	rddreg [dreg:$0x1]  }
0x3: {  	s1 =	stileid.u32;
	s5 =	simm.s32 $0x1;
	s0 =	sshll.u32 s0, $0x4  }
0x4: {  	s7 =	simm.s32 $0x2;
	s11 =	simm.s32 $0x0;
	s3 =	sand.u32 $0x10, s0  }
.Ltmp0:
0x5: {  	p0 =	por $0x0, $0x0;
	s3 =	sor.u32 s1, s3;
	(pc) =	sbr.rel .LBB1_1-.Ltmp0, $4  }
0x6: {  	s8 =	simm.s32 $0x7A1400;
	s10 =	simm.s32 $0x0;
	s3 =	sshll.u32 s3, $0x7  }
0x7: {  	s0 =	rddreg [dreg:$0x2];
	_ =	strace $0x80000047;
	s6 =	ssub.s32 $0xF4200, s3  }
0x8: {  	s4 =	sadd.s32 $0x3F0400, s4;
	[sflag:s5] =	ssyncpa.u1 $0x0;
	s6 =	sshrl.u32 s6, $0xC  }
0x9: {  	[sflag:s7] =	ssyncpa.u1 $0x0;
	s9 =	smov.u32 s3;
	s7 =	sadd.s32 $0x2, s6  }
.LBB1_5:
0xa: {  	s13 =	sadd.s32 $0x1000, s9  }
0xb: {  	p2 =	sgt.s32 s13, $0xF423F  }
0xc: {  	s13 =	smov.u32 @p2 s3;
	p2 =	sne.s32 s10, s7  }
.Ltmp1:
0xd: {  	p1 =	slt.u32 s10, $0x2;
	(pc) =	sbr.rel @!p2 .LBB1_6-.Ltmp1, $4  }
0xe: {  	s12 =	simm.s32 @!p1 $0x2  }
0xf: {  	s14 =	sadd.s32 $0x1, s10;
	_ =	swait.ge @!p1 [sflag:s12], $0x1000  }
0x10: {  	s11 =	smov.u32 s9;
	p0 =	por !p0, !p0;
	[sflag:s12] =	ssyncset.done @!p1 $0x0  }
0x11: {  	s10 =	smov.u32 s14;
	s9 =	smov.u32 s13;
	[sflag:s12] =	ssyncadd.s32 @!p1 $0xFFFFF000  }
.LBB1_1:
0x12: {  	p1 =	sgt.u32 s10, s6  }
0x13: {  	s13 =	smov.u32 s9;
	p2 =	sgt.s32 @!p1 s9, $0xF41C0  }
0x14: {  	s12 =	sand.u32 @!p1 $0x1FFFFFF, s9;
	s14 =	sshra.s32 @!p1 s9, $0x1F;
	p2 =	por !p2, p1  }
0x15: {  	s15 =	smulhi.u32 @!p1 $0x218DEF5, s12;
	s14 =	sand.u32 @!p1 s14, s9;
	s13 =	simm.s32 @p2 $0xF41C0  }
0x16: {  	s13 =	ssub.s32 @!p1 s13, s14  }
0x17: {  	s14 =	sshrl.u32 @!p1 s15, $0xD;
	s13 =	sadd.s32 @!p1 $0xFFF0BE40, s13  }
0x18: {  	s15 =	sxor.u32 @!p1 $0xFFFFFFFF, s10;
	s14 =	smul.u32 @!p1 $0xF4240, s14;
	s16 =	sshll.u32 @!p1 s13, $0x7  }
0x19: {  	s15 =	sshll.u32 @!p1 s15, $0xC;
	p2 =	sgt.s32 @!p1 s13, $0x7F;
	s13 =	ssub.s32 @!p1 $0x4000, s16  }
0x1a: {  	s12 =	ssub.s32 @!p1 s12, s14;
	p2 =	por !p2, p1;
	s14 =	sand.u32 @!p1 $0x1000, s15  }
0x1b: {  	s15 =	simm.s32 @!p1 $0x20;
	s13 =	sshrl.u32 @!p1 s13, $0x2;
	s12 =	sshll.u32 @!p1 s12, $0x4  }
0x1c: {  	s16 =	simm.s32 @!p1 $0x80;
	s13 =	simm.s32 @!p2 $0x0;
	s12 =	sadd.s32 @!p1 s4, s12  }
0x1d: {  	[tilespmem:s14], [sflag:$0x1] =	stream.strided.gather @!p1 [hbm4b:s12+s15], s13, s16, s15, $0x38;
	[tilespmem:$0x4040] =	vst v63  }
0x1e: {  	p1 =	seq.s32 s10, $0x0  }
0x1f: {  	p2 =	sge.u32 @!p1 s10, s7  }
0x20: {  	p1 =	por p1, p2  }
.Ltmp2:
0x21: {  	_ = 	snop;
	(pc) =	sbr.rel @p1 .LBB1_5-.Ltmp2, $1  }
0x22: {  	_ =	sdelay $0x3  }
0x23: {  	p1 =	sgt.s32 s11, $0xF41C0;
	s12 =	smov.u32 s11;
	s13 =	sshra.s32 s11, $0x1F  }
0x24: {  	s12 =	simm.s32 @!p1 $0xF41C0;
	s13 =	sand.u32 s13, s11  }
0x25: {  	s12 =	ssub.s32 s12, s13  }
0x26: {  	s12 =	sadd.s32 $0xFFF0BE40, s12  }
0x27: {  	s28 =	sshll.u32 s12, $0x7  }
0x28: {  	s13 =	ssub.s32 $0x4000, s28  }
0x29: {  	p1 =	sgt.s32 s12, $0x7F;
	s12 =	sshrl.u32 s13, $0x2  }
0x2a: {  	s13 =	simm.s32 $0x1;
	s12 =	simm.s32 @p1 $0x0  }
0x2b: {  	s13 =	simm.s32 @!p0 $0x0;
	_ =	swait.ge [sflag:s5], s12  }
0x2c: {  	s14 =	sshll.u32 s13, $0xC;
	s12 =	ssub.s32 $0x0, s12;
	[sflag:s5] =	ssyncset.done $0x0  }
0x2d: {  	s16 =	sor.u32 $0x10, s14;
	[sflag:s5] =	ssyncadd.s32 s12  }
0x2e: {  	s29 =	smul.u32 $0x4080, s13;
	v1 =	vld [tilespmem:s16+$0x0]  }
0x2f: {  	s30 =	sand.u32 $0x1, s10;
	v0 =	vld [tilespmem:s16+$0xFFFFFFF0]  }
0x30: {  	s13 =	smul.u32 $0x4080, s30;
	s12 =	sshrl.u32 s29, $0x2  }
0x31: {  	s14 =	sor.u32 $0x2000, s12  }
0x32: {  	s31 =	sshrl.u32 s13, $0x2;
	s13 =	sadd.s32 $0x0, s14  }
0x33: {  	s15 =	simm.s32 $0x4;
	s12 =	sor.u32 $0x2000, s31;
	s16 =	sadd.s32 $0x20, s16;
	[tilespmem:s13+$0x810 ss:$0x81] =	vst.msk $0xffff, v1  }
.LBB1_3:
0x34: {  	v1 =	vld [tilespmem:s16+$0x0];
	p1 =	sne.s32 s15, $0x1FC;
	[tilespmem:s13+$0x0 ss:$0x81] =	vst.msk $0xffff, v0;
	s13 =	smov.u32 s15;
	s15 =	sadd.s32 $0x4, s15  }
.Ltmp3:
0x35: {  	v0 =	vld [tilespmem:s16+$0xFFFFFFF0];
	(pc) =	sbr.rel @p1 .LBB1_3-.Ltmp3, $4  }
0x36: {  	_ = 	snop  }
0x37: {  	s13 =	sshra.s32 s13, $0x2  }
0x38: {  	s13 =	sadd.s32 s13, s14  }
0x39: {  	s16 =	sadd.s32 $0x20, s16;
	[tilespmem:s13+$0x810 ss:$0x81] =	vst.msk $0xffff, v1  }
0x3a: {  	s14 =	sshll.u32 s11, $0x3  }
0x3b: {  	s30 =	sand.u32 $0x7F, s11;
	s14 =	sand.u32 $0xFFFFFC00, s14  }
0x3c: {  	s11 =	sor.u32 s30, s14  }
0x3d: {  	s15 =	smulhi.u32 $0x218D6287, s11;
	_ =	sdelay $0x1  }
0x3e: {  	s14 =	smulhi.u32 $0x218D6287, s14;
	s15 =	sshrl.u32 s15, $0x11  }
0x3f: {  	s15 =	smul.u32 $0xF4280, s15  }
0x40: {  	s14 =	sshrl.u32 s14, $0x11  }
.Ltmp4:
0x41: {  	s14 =	sand.u32 $0x1F, s14;
	s11 =	ssub.s32 s11, s15;
	(pc) =	sbr.rel .LBB1_5-.Ltmp4, $4  }
0x42: {  	s14 =	smul.u32 $0x1E850, s14;
	s15 =	sshrl.u32 s11, $0x3;
	s11 =	sand.u32 $0x7, s11  }
0x43: {  	s15 =	sadd.s32 s2, s15;
	s11 =	sshll.u32 s11, $0x12  }
0x44: {  	[tilespmem:s13+$0x0 ss:$0x81] =	vst.msk $0xffff, v0;
	s31 =	sadd.s32 s14, s15;
	s11 =	sor.u32 $0x400, s11  }
0x45: {  	[hbm4b:s31+s11] =	stream.strided.scatter [tilespmem:s12], [sflag:$0x2], $0x1000, s8, s11, $0x20;
	[tilespmem:$0x4040] =	vst v63  }
.LBB1_6:
0x46: {  	_ =	sfence.sel $0x180000  }
0x47: {  	s2 =	simm.s32 $0x1;
	[bflag:$0x0] =	sbarrier.arrive $0xFFFF  }
0x48: {  	s31 =	simm.s32 $0x2;
	[sflag:s2] =	ssyncpa.u1 $0x1  }
0x49: {  	[sflag:s31] =	ssyncpa.u1 $0x1  }
0x4a: {  	p0 =	sne.s32 s1, $0x0;
	_ =	strace $0x90000047  }
0x4b: {  	s0 =	sadd.s32 @!p0 $0x100000, s0;
	[bflag:$0x2] =	sbarrier.arrive $0xFFFF  }
0x4c: {  	[sflag:s0] =	ssyncadd.tile.s32 @!p0 $0x1;
	_ =	shalt  }
.Lfunc_end1:
_tile_overlayer_lowered:
.L_overlay_start_2:
0x4d: {  	(tag) =	ssettag $0x2  }
0x4e: {  	s0 =	rddreg [dreg:$0x0];
	s2 =	stileid.u32  }
0x4f: {  	s1 =	rddreg [dreg:$0x1];
	p0 =	sne.s32 s2, $0x0  }
0x50: {  	s3 =	rddreg [dreg:$0x2];
	[bflag:$0x3] =	sbarrier.arrive $0xFFFF;
	s2 =	simm.s32 @!p0 $0x1C01  }
0x51: {  	[timem:s3], [sflag:s2] =	dma.local @!p0 [hbm:s0], s1  }
0x52: {  	s0 =	simm.s32 @!p0 $0x1  }
0x53: {  	_ =	swait.ge @!p0 [sflag:s0], s1  }
0x54: {  	s1 =	ssub.s32 @!p0 $0x0, s1;
	[sflag:s0] =	ssyncset.done @!p0 $0x0  }
0x55: {  	[sflag:s0] =	ssyncadd.s32 @!p0 s1  }
0x56: {  	[bflag:$0x3] =	sbarrier.arrive $0xFFFF  }
0x57: {  	_ =	shalt  }

</sc_bundles>
